<compile_context>
chip_gen: v7x
topology: tpu7x:2x2x1
jax: 0.10.2.dev20260603
libtpu: 0.0.44.dev20260713+nightly
codegen_flags: <defaults>
</compile_context>

<pallas_src>
import functools

import jax
import jax.numpy as jnp
from jax import lax
from jax.experimental import pallas as pl
from jax.experimental.pallas import tpu as pltpu
from jax.experimental.pallas import tpu_sc as plsc

F = 26
V = 100000
D = 32
B = 16384
NC = 2
L = 16
ICH = 2048
NCB = B // ICH
NG = F * NCB
NR = 4


def _sc_encode():
    mesh = plsc.VectorSubcoreMesh(core_axis_name="c", subcore_axis_name="s")

    @functools.partial(
        pl.kernel,
        out_type=jax.ShapeDtypeStruct((D, B), jnp.float32),
        mesh=mesh,
        scratch_types=[
            pltpu.VMEM((V,), jnp.float32),
            pltpu.VMEM((NR, ICH), jnp.int32),
            pltpu.VMEM((B,), jnp.float32),
            pltpu.SemaphoreType.DMA,
            pltpu.SemaphoreType.DMA((NR,)),
        ],
        compiler_params=pltpu.CompilerParams(needs_layout_passes=False),
    )
    def body(tbl_hbm, idx_hbm, out_hbm, rowbuf, ibuf, acc, rsem, isem):
        d = lax.axis_index("c") * 16 + lax.axis_index("s")

        def fire_idx(g):
            pltpu.async_copy(
                idx_hbm.at[g // NCB, g % NCB], ibuf.at[g % NR], isem.at[g % NR]
            )

        def wait_idx(g):
            pltpu.make_async_copy(
                idx_hbm.at[g // NCB, g % NCB], ibuf.at[g % NR], isem.at[g % NR]
            ).wait()

        def fire_row(f):
            pltpu.async_copy(tbl_hbm.at[f, d], rowbuf, rsem)

        for g in range(NR - 1):
            fire_idx(g)
        fire_row(0)

        def run_field(f, first):
            pltpu.make_async_copy(tbl_hbm.at[f, d], rowbuf, rsem).wait()

            def chunk(cb, carry):
                g = f * NCB + cb
                wait_idx(g)
                slot = g % NR

                @plsc.parallel_loop(0, ICH // L, unroll=16)
                def _(i):
                    vec = ibuf[slot, pl.ds(i * L, L)]
                    vals = plsc.load_gather(rowbuf, [vec])
                    dst = acc.at[pl.ds(cb * ICH + i * L, L)]
                    if first:
                        dst[...] = vals
                    else:
                        plsc.addupdate(dst, vals)

                gn = g + NR - 1

                @pl.when(gn < NG)
                def _():
                    fire_idx(gn)

                return carry

            lax.fori_loop(0, NCB, chunk, 0)

            @pl.when(f < F - 1)
            def _():
                fire_row(f + 1)

        run_field(0, True)
        lax.fori_loop(1, F, lambda f, c: (run_field(f, False), c)[1], 0)
        pltpu.sync_copy(acc, out_hbm.at[d])

    return body


def kernel(tables, values):
    tbl_t = jnp.transpose(tables, (0, 2, 1))
    idx_prep = values.astype(jnp.int32).T.reshape(F, NCB, ICH)
    out_t = _sc_encode()(tbl_t, idx_prep)
    return out_t.T

# --- scband reference (transcript-rebuilt; emitter-appended) ---
"""Pipeline reference for scband-categorical-encoder-13469017440609 (READ-ONLY COPY).

The authoritative reference and input builder live on the scoring server;
editing this copy changes nothing except your own understanding.
"""

import jax, jax.numpy as jnp
import numpy as np

N_FIELDS = 26
VOCAB = 100000
EMB_DIM = 32
BATCH = 16384

def setup_inputs(seed: int = 0) -> dict:
    key = jax.random.key(seed)
    k_idx, k_tab = jax.random.split(key)
    values = jax.random.randint(k_idx, (BATCH, N_FIELDS), 0, VOCAB)
    # xavier_uniform init per table: bound = sqrt(6 / (fan_in + fan_out))
    bound = float(np.sqrt(6.0 / (VOCAB + EMB_DIM)))
    tables = jax.random.uniform(k_tab, (N_FIELDS, VOCAB, EMB_DIM), dtype=jnp.float32, minval=-bound, maxval=bound)
    return {"tables": tables, "values": values}

def reference(tables, values):
    # tables: [F, V, D] stacked embedding tables; values: [B, F] int indices
    encoded = jnp.zeros((values.shape[0], tables.shape[-1]), dtype=tables.dtype)
    for column_idx in range(tables.shape[0]):
        encoded = encoded + jnp.take(tables[column_idx], values[:, column_idx], axis=0)
    return encoded

if __name__ == "__main__":
    import jax
    _d = setup_inputs()
    print(jax.jit(kernel)(*tuple(_d.values())))

</pallas_src>

<mosaic_0001>
#map = affine_map<(d0, d1) -> (0, 0, 0)>
#map1 = affine_map<(d0, d1) -> (0, 0)>
module attributes {stable_mosaic.version = 14 : i64} {
  func.func @body(%arg0: i32, %arg1: i32, %arg2: memref<26x32x100000xf32, #tpu.memory_space<hbm>>, %arg3: memref<26x8x2048xi32, #tpu.memory_space<hbm>>, %arg4: memref<32x16384xf32, #tpu.memory_space<hbm>>, %arg5: memref<100000xf32, #tpu.memory_space<vmem>>, %arg6: memref<4x2048xi32, #tpu.memory_space<vmem>>, %arg7: memref<16384xf32, #tpu.memory_space<vmem>>, %arg8: memref<!tpu.dma_semaphore, #tpu.memory_space<semaphore_mem>>, %arg9: memref<4x!tpu.dma_semaphore, #tpu.memory_space<semaphore_mem>>) attributes {dimension_semantics = [#tpu.dimension_semantics<core_parallel>, #tpu.dimension_semantics<subcore_parallel>], iteration_bounds = array<i64: 2, 16>, scalar_prefetch = 0 : i64, scratch_operands = 5 : i64, tpu.core_type = #tpu.core_type<sc_vector_subcore>, window_params = [{transform_indices = #map}, {transform_indices = #map}, {transform_indices = #map1}]} {
    %mul3A = arith.constant 16 : i32
    %mul3A_0 = arith.muli %arg0, %mul3A : i32
    %add3A = arith.addi %mul3A_0, %arg1 : i32
    %dma_start3A = arith.constant 0 : i32
    %dma_start3A_1 = arith.constant 0 : i32
    %dma_start3A_2 = arith.constant 0 : i32
    %dma_start3A_3 = arith.constant 0 : i32
    %dma_start3A_4 = arith.constant 0 : i32
    %dma_start3A_5 = tpu.memref_slice %arg6[%dma_start3A_2, %dma_start3A_4] : memref<4x2048xi32, #tpu.memory_space<vmem>> -> memref<1x2048xi32, #tpu.memory_space<vmem>>
    %dma_start3A_6 = tpu.memref_squeeze %dma_start3A_5 : memref<1x2048xi32, #tpu.memory_space<vmem>> -> memref<2048xi32, #tpu.memory_space<vmem>>
    %dma_start3A_7 = arith.constant 0 : i32
    %dma_start3A_8 = tpu.memref_slice %arg3[%dma_start3A, %dma_start3A_1, %dma_start3A_7] : memref<26x8x2048xi32, #tpu.memory_space<hbm>> -> memref<1x1x2048xi32, #tpu.memory_space<hbm>>
    %dma_start3A_9 = tpu.memref_squeeze %dma_start3A_8 : memref<1x1x2048xi32, #tpu.memory_space<hbm>> -> memref<2048xi32, #tpu.memory_space<hbm>>
    %dma_start3A_10 = tpu.memref_slice %arg9[%dma_start3A_3] : memref<4x!tpu.dma_semaphore, #tpu.memory_space<semaphore_mem>> -> memref<1x!tpu.dma_semaphore, #tpu.memory_space<semaphore_mem>>
    %dma_start3A_11 = tpu.memref_squeeze %dma_start3A_10 : memref<1x!tpu.dma_semaphore, #tpu.memory_space<semaphore_mem>> -> memref<!tpu.dma_semaphore, #tpu.memory_space<semaphore_mem>>
    %dma_start3A_12 = arith.constant 0 : i32
    %dma_start3A_13 = tpu.memref_slice %arg6[%dma_start3A_2, %dma_start3A_12] : memref<4x2048xi32, #tpu.memory_space<vmem>> -> memref<1x2048xi32, #tpu.memory_space<vmem>>
    %dma_start3A_14 = tpu.memref_squeeze %dma_start3A_13 : memref<1x2048xi32, #tpu.memory_space<vmem>> -> memref<2048xi32, #tpu.memory_space<vmem>>
    %dma_start3A_15 = arith.constant 0 : i32
    %dma_start3A_16 = tpu.memref_slice %arg3[%dma_start3A, %dma_start3A_1, %dma_start3A_15] : memref<26x8x2048xi32, #tpu.memory_space<hbm>> -> memref<1x1x2048xi32, #tpu.memory_space<hbm>>
    %dma_start3A_17 = tpu.memref_squeeze %dma_start3A_16 : memref<1x1x2048xi32, #tpu.memory_space<hbm>> -> memref<2048xi32, #tpu.memory_space<hbm>>
    tpu.enqueue_dma source(%dma_start3A_17 : memref<2048xi32, #tpu.memory_space<hbm>>) target(%dma_start3A_14 : memref<2048xi32, #tpu.memory_space<vmem>>) target_semaphore(%dma_start3A_11 : memref<!tpu.dma_semaphore, #tpu.memory_space<semaphore_mem>>)
    %dma_start3A_18 = arith.constant 0 : i32
    %dma_start3A_19 = arith.constant 1 : i32
    %dma_start3A_20 = arith.constant 1 : i32
    %dma_start3A_21 = arith.constant 1 : i32
    %dma_start3A_22 = arith.constant 0 : i32
    %dma_start3A_23 = tpu.memref_slice %arg6[%dma_start3A_20, %dma_start3A_22] : memref<4x2048xi32, #tpu.memory_space<vmem>> -> memref<1x2048xi32, #tpu.memory_space<vmem>>
    %dma_start3A_24 = tpu.memref_squeeze %dma_start3A_23 : memref<1x2048xi32, #tpu.memory_space<vmem>> -> memref<2048xi32, #tpu.memory_space<vmem>>
    %dma_start3A_25 = arith.constant 0 : i32
    %dma_start3A_26 = tpu.memref_slice %arg3[%dma_start3A_18, %dma_start3A_19, %dma_start3A_25] : memref<26x8x2048xi32, #tpu.memory_space<hbm>> -> memref<1x1x2048xi32, #tpu.memory_space<hbm>>
    %dma_start3A_27 = tpu.memref_squeeze %dma_start3A_26 : memref<1x1x2048xi32, #tpu.memory_space<hbm>> -> memref<2048xi32, #tpu.memory_space<hbm>>
    %dma_start3A_28 = tpu.memref_slice %arg9[%dma_start3A_21] : memref<4x!tpu.dma_semaphore, #tpu.memory_space<semaphore_mem>> -> memref<1x!tpu.dma_semaphore, #tpu.memory_space<semaphore_mem>>
    %dma_start3A_29 = tpu.memref_squeeze %dma_start3A_28 : memref<1x!tpu.dma_semaphore, #tpu.memory_space<semaphore_mem>> -> memref<!tpu.dma_semaphore, #tpu.memory_space<semaphore_mem>>
    %dma_start3A_30 = arith.constant 0 : i32
    %dma_start3A_31 = tpu.memref_slice %arg6[%dma_start3A_20, %dma_start3A_30] : memref<4x2048xi32, #tpu.memory_space<vmem>> -> memref<1x2048xi32, #tpu.memory_space<vmem>>
    %dma_start3A_32 = tpu.memref_squeeze %dma_start3A_31 : memref<1x2048xi32, #tpu.memory_space<vmem>> -> memref<2048xi32, #tpu.memory_space<vmem>>
    %dma_start3A_33 = arith.constant 0 : i32
    %dma_start3A_34 = tpu.memref_slice %arg3[%dma_start3A_18, %dma_start3A_19, %dma_start3A_33] : memref<26x8x2048xi32, #tpu.memory_space<hbm>> -> memref<1x1x2048xi32, #tpu.memory_space<hbm>>
    %dma_start3A_35 = tpu.memref_squeeze %dma_start3A_34 : memref<1x1x2048xi32, #tpu.memory_space<hbm>> -> memref<2048xi32, #tpu.memory_space<hbm>>
    tpu.enqueue_dma source(%dma_start3A_35 : memref<2048xi32, #tpu.memory_space<hbm>>) target(%dma_start3A_32 : memref<2048xi32, #tpu.memory_space<vmem>>) target_semaphore(%dma_start3A_29 : memref<!tpu.dma_semaphore, #tpu.memory_space<semaphore_mem>>)
    %dma_start3A_36 = arith.constant 0 : i32
    %dma_start3A_37 = arith.constant 2 : i32
    %dma_start3A_38 = arith.constant 2 : i32
    %dma_start3A_39 = arith.constant 2 : i32
    %dma_start3A_40 = arith.constant 0 : i32
    %dma_start3A_41 = tpu.memref_slice %arg6[%dma_start3A_38, %dma_start3A_40] : memref<4x2048xi32, #tpu.memory_space<vmem>> -> memref<1x2048xi32, #tpu.memory_space<vmem>>
    %dma_start3A_42 = tpu.memref_squeeze %dma_start3A_41 : memref<1x2048xi32, #tpu.memory_space<vmem>> -> memref<2048xi32, #tpu.memory_space<vmem>>
    %dma_start3A_43 = arith.constant 0 : i32
    %dma_start3A_44 = tpu.memref_slice %arg3[%dma_start3A_36, %dma_start3A_37, %dma_start3A_43] : memref<26x8x2048xi32, #tpu.memory_space<hbm>> -> memref<1x1x2048xi32, #tpu.memory_space<hbm>>
    %dma_start3A_45 = tpu.memref_squeeze %dma_start3A_44 : memref<1x1x2048xi32, #tpu.memory_space<hbm>> -> memref<2048xi32, #tpu.memory_space<hbm>>
    %dma_start3A_46 = tpu.memref_slice %arg9[%dma_start3A_39] : memref<4x!tpu.dma_semaphore, #tpu.memory_space<semaphore_mem>> -> memref<1x!tpu.dma_semaphore, #tpu.memory_space<semaphore_mem>>
    %dma_start3A_47 = tpu.memref_squeeze %dma_start3A_46 : memref<1x!tpu.dma_semaphore, #tpu.memory_space<semaphore_mem>> -> memref<!tpu.dma_semaphore, #tpu.memory_space<semaphore_mem>>
    %dma_start3A_48 = arith.constant 0 : i32
    %dma_start3A_49 = tpu.memref_slice %arg6[%dma_start3A_38, %dma_start3A_48] : memref<4x2048xi32, #tpu.memory_space<vmem>> -> memref<1x2048xi32, #tpu.memory_space<vmem>>
    %dma_start3A_50 = tpu.memref_squeeze %dma_start3A_49 : memref<1x2048xi32, #tpu.memory_space<vmem>> -> memref<2048xi32, #tpu.memory_space<vmem>>
    %dma_start3A_51 = arith.constant 0 : i32
    %dma_start3A_52 = tpu.memref_slice %arg3[%dma_start3A_36, %dma_start3A_37, %dma_start3A_51] : memref<26x8x2048xi32, #tpu.memory_space<hbm>> -> memref<1x1x2048xi32, #tpu.memory_space<hbm>>
    %dma_start3A_53 = tpu.memref_squeeze %dma_start3A_52 : memref<1x1x2048xi32, #tpu.memory_space<hbm>> -> memref<2048xi32, #tpu.memory_space<hbm>>
    tpu.enqueue_dma source(%dma_start3A_53 : memref<2048xi32, #tpu.memory_space<hbm>>) target(%dma_start3A_50 : memref<2048xi32, #tpu.memory_space<vmem>>) target_semaphore(%dma_start3A_47 : memref<!tpu.dma_semaphore, #tpu.memory_space<semaphore_mem>>)
    %dma_start3A_54 = arith.constant 0 : i32
    %dma_start3A_55 = arith.constant 0 : i32
    %dma_start3A_56 = tpu.memref_slice %arg2[%dma_start3A_54, %add3A, %dma_start3A_55] : memref<26x32x100000xf32, #tpu.memory_space<hbm>> -> memref<1x1x100000xf32, #tpu.memory_space<hbm>>
    %dma_start3A_57 = tpu.memref_squeeze %dma_start3A_56 : memref<1x1x100000xf32, #tpu.memory_space<hbm>> -> memref<100000xf32, #tpu.memory_space<hbm>>
    %dma_start3A_58 = arith.constant 0 : i32
    %dma_start3A_59 = tpu.memref_slice %arg2[%dma_start3A_54, %add3A, %dma_start3A_58] : memref<26x32x100000xf32, #tpu.memory_space<hbm>> -> memref<1x1x100000xf32, #tpu.memory_space<hbm>>
    %dma_start3A_60 = tpu.memref_squeeze %dma_start3A_59 : memref<1x1x100000xf32, #tpu.memory_space<hbm>> -> memref<100000xf32, #tpu.memory_space<hbm>>
    tpu.enqueue_dma source(%dma_start3A_60 : memref<100000xf32, #tpu.memory_space<hbm>>) target(%arg5 : memref<100000xf32, #tpu.memory_space<vmem>>) target_semaphore(%arg8 : memref<!tpu.dma_semaphore, #tpu.memory_space<semaphore_mem>>)
    %dma_wait3A = arith.constant 0 : i32
    %dma_wait3A_61 = arith.constant 0 : i32
    %dma_wait3A_62 = tpu.memref_slice %arg2[%dma_wait3A, %add3A, %dma_wait3A_61] : memref<26x32x100000xf32, #tpu.memory_space<hbm>> -> memref<1x1x100000xf32, #tpu.memory_space<hbm>>
    %dma_wait3A_63 = tpu.memref_squeeze %dma_wait3A_62 : memref<1x1x100000xf32, #tpu.memory_space<hbm>> -> memref<100000xf32, #tpu.memory_space<hbm>>
    %dma_wait3A_64 = arith.constant 0 : i32
    %dma_wait3A_65 = tpu.memref_slice %arg2[%dma_wait3A, %add3A, %dma_wait3A_64] : memref<26x32x100000xf32, #tpu.memory_space<hbm>> -> memref<1x1x100000xf32, #tpu.memory_space<hbm>>
    %dma_wait3A_66 = tpu.memref_squeeze %dma_wait3A_65 : memref<1x1x100000xf32, #tpu.memory_space<hbm>> -> memref<100000xf32, #tpu.memory_space<hbm>>
    tpu.wait_dma2 semaphore(%arg8 : memref<!tpu.dma_semaphore, #tpu.memory_space<semaphore_mem>>) src(%dma_wait3A_66 : memref<100000xf32, #tpu.memory_space<hbm>>) dst(%arg5 : memref<100000xf32, #tpu.memory_space<vmem>>)
    %scan3A = arith.constant 0 : i32
    %scan3A_67 = arith.constant 0 : i32
    %scan3A_68 = arith.constant 8 : i32
    %scan3A_69 = arith.addi %scan3A_67, %scan3A_68 : i32
    %scan3A_70 = arith.constant 1 : i32
    scf.for %scan3A_85 = %scan3A_67 to %scan3A_69 step %scan3A_70  : i32 {
      %add3A_86 = arith.constant 0 : i32
      %add3A_87 = arith.addi %add3A_86, %scan3A_85 : i32
      %jit3A = arith.constant 8 : i32
      %div3A = arith.divsi %add3A_87, %jit3A : i32
      %sign3A = arith.constant 0 : i32
      %sign3A_88 = arith.cmpi sgt, %add3A_87, %sign3A : i32
      %sign3A_89 = arith.extui %sign3A_88 : i1 to i32
      %sign3A_90 = arith.constant 0 : i32
      %sign3A_91 = arith.cmpi slt, %add3A_87, %sign3A_90 : i32
      %sign3A_92 = arith.extui %sign3A_91 : i1 to i32
      %sign3A_93 = arith.subi %sign3A_89, %sign3A_92 : i32
      %sign3A_94 = arith.constant 0 : i32
      %sign3A_95 = arith.cmpi sgt, %jit3A, %sign3A_94 : i32
      %sign3A_96 = arith.extui %sign3A_95 : i1 to i32
      %sign3A_97 = arith.constant 0 : i32
      %sign3A_98 = arith.cmpi slt, %jit3A, %sign3A_97 : i32
      %sign3A_99 = arith.extui %sign3A_98 : i1 to i32
      %sign3A_100 = arith.subi %sign3A_96, %sign3A_99 : i32
      %ne3A = arith.cmpi ne, %sign3A_93, %sign3A_100 : i32
      %rem3A = arith.remsi %add3A_87, %jit3A : i32
      %ne3A_101 = arith.constant 0 : i32
      %ne3A_102 = arith.cmpi ne, %rem3A, %ne3A_101 : i32
      %and3A = arith.andi %ne3A, %ne3A_102 : i1
      %sub3A = arith.constant 1 : i32
      %sub3A_103 = arith.subi %div3A, %sub3A : i32
      %select_n3A = arith.select %and3A, %sub3A_103, %div3A : i32
      %jit3A_104 = arith.constant 8 : i32
      %eq3A = arith.constant 0 : i32
      %eq3A_105 = arith.cmpi eq, %jit3A_104, %eq3A : i32
      %jit3A_106 = arith.constant 1 : i32
      %select_n3A_107 = arith.select %eq3A_105, %jit3A_106, %jit3A_104 : i32
      %rem3A_108 = arith.remsi %add3A_87, %select_n3A_107 : i32
      %ne3A_109 = arith.constant 0 : i32
      %ne3A_110 = arith.cmpi ne, %rem3A_108, %ne3A_109 : i32
      %lt3A = arith.constant 0 : i32
      %lt3A_111 = arith.cmpi slt, %rem3A_108, %lt3A : i32
      %lt3A_112 = arith.constant 0 : i32
      %lt3A_113 = arith.cmpi slt, %select_n3A_107, %lt3A_112 : i32
      %ne3A_114 = arith.xori %lt3A_111, %lt3A_113 : i1
      %and3A_115 = arith.andi %ne3A_114, %ne3A_110 : i1
      %add3A_116 = arith.addi %rem3A_108, %select_n3A_107 : i32
      %select_n3A_117 = arith.select %and3A_115, %add3A_116, %rem3A_108 : i32
      %jit3A_118 = arith.constant 4 : i32
      %eq3A_119 = arith.constant 0 : i32
      %eq3A_120 = arith.cmpi eq, %jit3A_118, %eq3A_119 : i32
      %jit3A_121 = arith.constant 1 : i32
      %select_n3A_122 = arith.select %eq3A_120, %jit3A_121, %jit3A_118 : i32
      %rem3A_123 = arith.remsi %add3A_87, %select_n3A_122 : i32
      %ne3A_124 = arith.constant 0 : i32
      %ne3A_125 = arith.cmpi ne, %rem3A_123, %ne3A_124 : i32
      %lt3A_126 = arith.constant 0 : i32
      %lt3A_127 = arith.cmpi slt, %rem3A_123, %lt3A_126 : i32
      %lt3A_128 = arith.constant 0 : i32
      %lt3A_129 = arith.cmpi slt, %select_n3A_122, %lt3A_128 : i32
      %ne3A_130 = arith.xori %lt3A_127, %lt3A_129 : i1
      %and3A_131 = arith.andi %ne3A_130, %ne3A_125 : i1
      %add3A_132 = arith.addi %rem3A_123, %select_n3A_122 : i32
      %select_n3A_133 = arith.select %and3A_131, %add3A_132, %rem3A_123 : i32
      %jit3A_134 = arith.constant 4 : i32
      %eq3A_135 = arith.constant 0 : i32
      %eq3A_136 = arith.cmpi eq, %jit3A_134, %eq3A_135 : i32
      %jit3A_137 = arith.constant 1 : i32
      %select_n3A_138 = arith.select %eq3A_136, %jit3A_137, %jit3A_134 : i32
      %rem3A_139 = arith.remsi %add3A_87, %select_n3A_138 : i32
      %ne3A_140 = arith.constant 0 : i32
      %ne3A_141 = arith.cmpi ne, %rem3A_139, %ne3A_140 : i32
      %lt3A_142 = arith.constant 0 : i32
      %lt3A_143 = arith.cmpi slt, %rem3A_139, %lt3A_142 : i32
      %lt3A_144 = arith.constant 0 : i32
      %lt3A_145 = arith.cmpi slt, %select_n3A_138, %lt3A_144 : i32
      %ne3A_146 = arith.xori %lt3A_143, %lt3A_145 : i1
      %and3A_147 = arith.andi %ne3A_146, %ne3A_141 : i1
      %add3A_148 = arith.addi %rem3A_139, %select_n3A_138 : i32
      %select_n3A_149 = arith.select %and3A_147, %add3A_148, %rem3A_139 : i32
      %dma_wait3A_150 = arith.constant 0 : i32
      %dma_wait3A_151 = tpu.memref_slice %arg6[%select_n3A_133, %dma_wait3A_150] : memref<4x2048xi32, #tpu.memory_space<vmem>> -> memref<1x2048xi32, #tpu.memory_space<vmem>>
      %dma_wait3A_152 = tpu.memref_squeeze %dma_wait3A_151 : memref<1x2048xi32, #tpu.memory_space<vmem>> -> memref<2048xi32, #tpu.memory_space<vmem>>
      %dma_wait3A_153 = arith.constant 0 : i32
      %dma_wait3A_154 = tpu.memref_slice %arg3[%select_n3A, %select_n3A_117, %dma_wait3A_153] : memref<26x8x2048xi32, #tpu.memory_space<hbm>> -> memref<1x1x2048xi32, #tpu.memory_space<hbm>>
      %dma_wait3A_155 = tpu.memref_squeeze %dma_wait3A_154 : memref<1x1x2048xi32, #tpu.memory_space<hbm>> -> memref<2048xi32, #tpu.memory_space<hbm>>
      %dma_wait3A_156 = tpu.memref_slice %arg9[%select_n3A_149] : memref<4x!tpu.dma_semaphore, #tpu.memory_space<semaphore_mem>> -> memref<1x!tpu.dma_semaphore, #tpu.memory_space<semaphore_mem>>
      %dma_wait3A_157 = tpu.memref_squeeze %dma_wait3A_156 : memref<1x!tpu.dma_semaphore, #tpu.memory_space<semaphore_mem>> -> memref<!tpu.dma_semaphore, #tpu.memory_space<semaphore_mem>>
      %dma_wait3A_158 = arith.constant 0 : i32
      %dma_wait3A_159 = tpu.memref_slice %arg6[%select_n3A_133, %dma_wait3A_158] : memref<4x2048xi32, #tpu.memory_space<vmem>> -> memref<1x2048xi32, #tpu.memory_space<vmem>>
      %dma_wait3A_160 = tpu.memref_squeeze %dma_wait3A_159 : memref<1x2048xi32, #tpu.memory_space<vmem>> -> memref<2048xi32, #tpu.memory_space<vmem>>
      %dma_wait3A_161 = arith.constant 0 : i32
      %dma_wait3A_162 = tpu.memref_slice %arg3[%select_n3A, %select_n3A_117, %dma_wait3A_161] : memref<26x8x2048xi32, #tpu.memory_space<hbm>> -> memref<1x1x2048xi32, #tpu.memory_space<hbm>>
      %dma_wait3A_163 = tpu.memref_squeeze %dma_wait3A_162 : memref<1x1x2048xi32, #tpu.memory_space<hbm>> -> memref<2048xi32, #tpu.memory_space<hbm>>
      tpu.wait_dma2 semaphore(%dma_wait3A_157 : memref<!tpu.dma_semaphore, #tpu.memory_space<semaphore_mem>>) src(%dma_wait3A_163 : memref<2048xi32, #tpu.memory_space<hbm>>) dst(%dma_wait3A_160 : memref<2048xi32, #tpu.memory_space<vmem>>)
      %jit3A_164 = arith.constant 4 : i32
      %eq3A_165 = arith.constant 0 : i32
      %eq3A_166 = arith.cmpi eq, %jit3A_164, %eq3A_165 : i32
      %jit3A_167 = arith.constant 1 : i32
      %select_n3A_168 = arith.select %eq3A_166, %jit3A_167, %jit3A_164 : i32
      %rem3A_169 = arith.remsi %add3A_87, %select_n3A_168 : i32
      %ne3A_170 = arith.constant 0 : i32
      %ne3A_171 = arith.cmpi ne, %rem3A_169, %ne3A_170 : i32
      %lt3A_172 = arith.constant 0 : i32
      %lt3A_173 = arith.cmpi slt, %rem3A_169, %lt3A_172 : i32
      %lt3A_174 = arith.constant 0 : i32
      %lt3A_175 = arith.cmpi slt, %select_n3A_168, %lt3A_174 : i32
      %ne3A_176 = arith.xori %lt3A_173, %lt3A_175 : i1
      %and3A_177 = arith.andi %ne3A_176, %ne3A_171 : i1
      %add3A_178 = arith.addi %rem3A_169, %select_n3A_168 : i32
      %select_n3A_179 = arith.select %and3A_177, %add3A_178, %rem3A_169 : i32
      %parallel_loop3A = arith.constant 0 : i32
      %parallel_loop3A_180 = arith.constant 128 : i32
      %parallel_loop3A_181 = arith.constant 1 : i32
      scf.for %parallel_loop3A_189 = %parallel_loop3A to %parallel_loop3A_180 step %parallel_loop3A_181  : i32 {
        %parallel_loop3A_190 = arith.constant 16 : i32
        %parallel_loop3A_191 = arith.muli %parallel_loop3A_189, %parallel_loop3A_190 : i32
        %parallel_loop3A_192 = arith.index_cast %select_n3A_179 : i32 to index
        %parallel_loop3A_193 = arith.index_cast %parallel_loop3A_191 : i32 to index
        %parallel_loop3A_194 = tpu.vector_load %arg6[%parallel_loop3A_192, %parallel_loop3A_193] {strides = array<i32>} : memref<4x2048xi32, #tpu.memory_space<vmem>>, vector<16xi32>,
        %parallel_loop3A_195 = tpu.vector_load_idx %arg5[%parallel_loop3A_194] : memref<100000xf32, #tpu.memory_space<vmem>>[vector<16xi32>], vector<16xf32>,
        %parallel_loop3A_196 = arith.constant 2048 : i32
        %parallel_loop3A_197 = arith.muli %scan3A_85, %parallel_loop3A_196 : i32
        %parallel_loop3A_198 = arith.constant 16 : i32
        %parallel_loop3A_199 = arith.muli %parallel_loop3A_189, %parallel_loop3A_198 : i32
        %parallel_loop3A_200 = arith.addi %parallel_loop3A_197, %parallel_loop3A_199 : i32
        %parallel_loop3A_201 = arith.index_cast %parallel_loop3A_200 : i32 to index
        %parallel_loop3A_202 = tpu.vector_load %arg7[%parallel_loop3A_201] {strides = array<i32>} : memref<16384xf32, #tpu.memory_space<vmem>>, vector<16xf32>,
        tpu.vector_store %arg7[%parallel_loop3A_201], %parallel_loop3A_195 {strides = array<i32>} : memref<16384xf32, #tpu.memory_space<vmem>>, vector<16xf32>,
      } {sc.loop_unroll_factor = 16 : i64, sc.parallel_access}
      %add3A_182 = arith.constant 4 : i32
      %add3A_183 = arith.addi %add3A_87, %add3A_182 : i32
      %sub3A_184 = arith.constant 1 : i32
      %sub3A_185 = arith.subi %add3A_183, %sub3A_184 : i32
      %lt3A_186 = arith.constant 208 : i32
      %lt3A_187 = arith.cmpi slt, %sub3A_185, %lt3A_186 : i32
      %convert_element_type3A = arith.extui %lt3A_187 : i1 to i32
      %cond3A = arith.constant 0 : i32
      %cond3A_188 = arith.cmpi ne, %convert_element_type3A, %cond3A : i32
      scf.if %cond3A_188 {
        %jit3A_189 = arith.constant 8 : i32
        %div3A_190 = arith.divsi %sub3A_185, %jit3A_189 : i32
        %sign3A_191 = arith.constant 0 : i32
        %sign3A_192 = arith.cmpi sgt, %sub3A_185, %sign3A_191 : i32
        %sign3A_193 = arith.extui %sign3A_192 : i1 to i32
        %sign3A_194 = arith.constant 0 : i32
        %sign3A_195 = arith.cmpi slt, %sub3A_185, %sign3A_194 : i32
        %sign3A_196 = arith.extui %sign3A_195 : i1 to i32
        %sign3A_197 = arith.subi %sign3A_193, %sign3A_196 : i32
        %sign3A_198 = arith.constant 0 : i32
        %sign3A_199 = arith.cmpi sgt, %jit3A_189, %sign3A_198 : i32
        %sign3A_200 = arith.extui %sign3A_199 : i1 to i32
        %sign3A_201 = arith.constant 0 : i32
        %sign3A_202 = arith.cmpi slt, %jit3A_189, %sign3A_201 : i32
        %sign3A_203 = arith.extui %sign3A_202 : i1 to i32
        %sign3A_204 = arith.subi %sign3A_200, %sign3A_203 : i32
        %ne3A_205 = arith.cmpi ne, %sign3A_197, %sign3A_204 : i32
        %rem3A_206 = arith.remsi %sub3A_185, %jit3A_189 : i32
        %ne3A_207 = arith.constant 0 : i32
        %ne3A_208 = arith.cmpi ne, %rem3A_206, %ne3A_207 : i32
        %and3A_209 = arith.andi %ne3A_205, %ne3A_208 : i1
        %sub3A_210 = arith.constant 1 : i32
        %sub3A_211 = arith.subi %div3A_190, %sub3A_210 : i32
        %select_n3A_212 = arith.select %and3A_209, %sub3A_211, %div3A_190 : i32
        %jit3A_213 = arith.constant 8 : i32
        %eq3A_214 = arith.constant 0 : i32
        %eq3A_215 = arith.cmpi eq, %jit3A_213, %eq3A_214 : i32
        %jit3A_216 = arith.constant 1 : i32
        %select_n3A_217 = arith.select %eq3A_215, %jit3A_216, %jit3A_213 : i32
        %rem3A_218 = arith.remsi %sub3A_185, %select_n3A_217 : i32
        %ne3A_219 = arith.constant 0 : i32
        %ne3A_220 = arith.cmpi ne, %rem3A_218, %ne3A_219 : i32
        %lt3A_221 = arith.constant 0 : i32
        %lt3A_222 = arith.cmpi slt, %rem3A_218, %lt3A_221 : i32
        %lt3A_223 = arith.constant 0 : i32
        %lt3A_224 = arith.cmpi slt, %select_n3A_217, %lt3A_223 : i32
        %ne3A_225 = arith.xori %lt3A_222, %lt3A_224 : i1
        %and3A_226 = arith.andi %ne3A_225, %ne3A_220 : i1
        %add3A_227 = arith.addi %rem3A_218, %select_n3A_217 : i32
        %select_n3A_228 = arith.select %and3A_226, %add3A_227, %rem3A_218 : i32
        %jit3A_229 = arith.constant 4 : i32
        %eq3A_230 = arith.constant 0 : i32
        %eq3A_231 = arith.cmpi eq, %jit3A_229, %eq3A_230 : i32
        %jit3A_232 = arith.constant 1 : i32
        %select_n3A_233 = arith.select %eq3A_231, %jit3A_232, %jit3A_229 : i32
        %rem3A_234 = arith.remsi %sub3A_185, %select_n3A_233 : i32
        %ne3A_235 = arith.constant 0 : i32
        %ne3A_236 = arith.cmpi ne, %rem3A_234, %ne3A_235 : i32
        %lt3A_237 = arith.constant 0 : i32
        %lt3A_238 = arith.cmpi slt, %rem3A_234, %lt3A_237 : i32
        %lt3A_239 = arith.constant 0 : i32
        %lt3A_240 = arith.cmpi slt, %select_n3A_233, %lt3A_239 : i32
        %ne3A_241 = arith.xori %lt3A_238, %lt3A_240 : i1
        %and3A_242 = arith.andi %ne3A_241, %ne3A_236 : i1
        %add3A_243 = arith.addi %rem3A_234, %select_n3A_233 : i32
        %select_n3A_244 = arith.select %and3A_242, %add3A_243, %rem3A_234 : i32
        %jit3A_245 = arith.constant 4 : i32
        %eq3A_246 = arith.constant 0 : i32
        %eq3A_247 = arith.cmpi eq, %jit3A_245, %eq3A_246 : i32
        %jit3A_248 = arith.constant 1 : i32
        %select_n3A_249 = arith.select %eq3A_247, %jit3A_248, %jit3A_245 : i32
        %rem3A_250 = arith.remsi %sub3A_185, %select_n3A_249 : i32
        %ne3A_251 = arith.constant 0 : i32
        %ne3A_252 = arith.cmpi ne, %rem3A_250, %ne3A_251 : i32
        %lt3A_253 = arith.constant 0 : i32
        %lt3A_254 = arith.cmpi slt, %rem3A_250, %lt3A_253 : i32
        %lt3A_255 = arith.constant 0 : i32
        %lt3A_256 = arith.cmpi slt, %select_n3A_249, %lt3A_255 : i32
        %ne3A_257 = arith.xori %lt3A_254, %lt3A_256 : i1
        %and3A_258 = arith.andi %ne3A_257, %ne3A_252 : i1
        %add3A_259 = arith.addi %rem3A_250, %select_n3A_249 : i32
        %select_n3A_260 = arith.select %and3A_258, %add3A_259, %rem3A_250 : i32
        %dma_start3A_261 = arith.constant 0 : i32
        %dma_start3A_262 = tpu.memref_slice %arg6[%select_n3A_244, %dma_start3A_261] : memref<4x2048xi32, #tpu.memory_space<vmem>> -> memref<1x2048xi32, #tpu.memory_space<vmem>>
        %dma_start3A_263 = tpu.memref_squeeze %dma_start3A_262 : memref<1x2048xi32, #tpu.memory_space<vmem>> -> memref<2048xi32, #tpu.memory_space<vmem>>
        %dma_start3A_264 = arith.constant 0 : i32
        %dma_start3A_265 = tpu.memref_slice %arg3[%select_n3A_212, %select_n3A_228, %dma_start3A_264] : memref<26x8x2048xi32, #tpu.memory_space<hbm>> -> memref<1x1x2048xi32, #tpu.memory_space<hbm>>
        %dma_start3A_266 = tpu.memref_squeeze %dma_start3A_265 : memref<1x1x2048xi32, #tpu.memory_space<hbm>> -> memref<2048xi32, #tpu.memory_space<hbm>>
        %dma_start3A_267 = tpu.memref_slice %arg9[%select_n3A_260] : memref<4x!tpu.dma_semaphore, #tpu.memory_space<semaphore_mem>> -> memref<1x!tpu.dma_semaphore, #tpu.memory_space<semaphore_mem>>
        %dma_start3A_268 = tpu.memref_squeeze %dma_start3A_267 : memref<1x!tpu.dma_semaphore, #tpu.memory_space<semaphore_mem>> -> memref<!tpu.dma_semaphore, #tpu.memory_space<semaphore_mem>>
        %dma_start3A_269 = arith.constant 0 : i32
        %dma_start3A_270 = tpu.memref_slice %arg6[%select_n3A_244, %dma_start3A_269] : memref<4x2048xi32, #tpu.memory_space<vmem>> -> memref<1x2048xi32, #tpu.memory_space<vmem>>
        %dma_start3A_271 = tpu.memref_squeeze %dma_start3A_270 : memref<1x2048xi32, #tpu.memory_space<vmem>> -> memref<2048xi32, #tpu.memory_space<vmem>>
        %dma_start3A_272 = arith.constant 0 : i32
        %dma_start3A_273 = tpu.memref_slice %arg3[%select_n3A_212, %select_n3A_228, %dma_start3A_272] : memref<26x8x2048xi32, #tpu.memory_space<hbm>> -> memref<1x1x2048xi32, #tpu.memory_space<hbm>>
        %dma_start3A_274 = tpu.memref_squeeze %dma_start3A_273 : memref<1x1x2048xi32, #tpu.memory_space<hbm>> -> memref<2048xi32, #tpu.memory_space<hbm>>
        tpu.enqueue_dma source(%dma_start3A_274 : memref<2048xi32, #tpu.memory_space<hbm>>) target(%dma_start3A_271 : memref<2048xi32, #tpu.memory_space<vmem>>) target_semaphore(%dma_start3A_268 : memref<!tpu.dma_semaphore, #tpu.memory_space<semaphore_mem>>)
      } else {
      }
    }
    %scan3A_71 = arith.constant 8 : i32
    %dma_start3A_72 = arith.constant 1 : i32
    %dma_start3A_73 = arith.constant 0 : i32
    %dma_start3A_74 = tpu.memref_slice %arg2[%dma_start3A_72, %add3A, %dma_start3A_73] : memref<26x32x100000xf32, #tpu.memory_space<hbm>> -> memref<1x1x100000xf32, #tpu.memory_space<hbm>>
    %dma_start3A_75 = tpu.memref_squeeze %dma_start3A_74 : memref<1x1x100000xf32, #tpu.memory_space<hbm>> -> memref<100000xf32, #tpu.memory_space<hbm>>
    %dma_start3A_76 = arith.constant 0 : i32
    %dma_start3A_77 = tpu.memref_slice %arg2[%dma_start3A_72, %add3A, %dma_start3A_76] : memref<26x32x100000xf32, #tpu.memory_space<hbm>> -> memref<1x1x100000xf32, #tpu.memory_space<hbm>>
    %dma_start3A_78 = tpu.memref_squeeze %dma_start3A_77 : memref<1x1x100000xf32, #tpu.memory_space<hbm>> -> memref<100000xf32, #tpu.memory_space<hbm>>
    tpu.enqueue_dma source(%dma_start3A_78 : memref<100000xf32, #tpu.memory_space<hbm>>) target(%arg5 : memref<100000xf32, #tpu.memory_space<vmem>>) target_semaphore(%arg8 : memref<!tpu.dma_semaphore, #tpu.memory_space<semaphore_mem>>)
    %scan3A_79 = arith.constant 0 : i32
    %scan3A_80 = arith.constant 1 : i32
    %scan3A_81 = arith.constant 25 : i32
    %scan3A_82 = arith.addi %scan3A_80, %scan3A_81 : i32
    %scan3A_83 = arith.constant 1 : i32
    scf.for %scan3A_85 = %scan3A_80 to %scan3A_82 step %scan3A_83  : i32 {
      %dma_wait3A_86 = arith.constant 0 : i32
      %dma_wait3A_87 = tpu.memref_slice %arg2[%scan3A_85, %add3A, %dma_wait3A_86] : memref<26x32x100000xf32, #tpu.memory_space<hbm>> -> memref<1x1x100000xf32, #tpu.memory_space<hbm>>
      %dma_wait3A_88 = tpu.memref_squeeze %dma_wait3A_87 : memref<1x1x100000xf32, #tpu.memory_space<hbm>> -> memref<100000xf32, #tpu.memory_space<hbm>>
      %dma_wait3A_89 = arith.constant 0 : i32
      %dma_wait3A_90 = tpu.memref_slice %arg2[%scan3A_85, %add3A, %dma_wait3A_89] : memref<26x32x100000xf32, #tpu.memory_space<hbm>> -> memref<1x1x100000xf32, #tpu.memory_space<hbm>>
      %dma_wait3A_91 = tpu.memref_squeeze %dma_wait3A_90 : memref<1x1x100000xf32, #tpu.memory_space<hbm>> -> memref<100000xf32, #tpu.memory_space<hbm>>
      tpu.wait_dma2 semaphore(%arg8 : memref<!tpu.dma_semaphore, #tpu.memory_space<semaphore_mem>>) src(%dma_wait3A_91 : memref<100000xf32, #tpu.memory_space<hbm>>) dst(%arg5 : memref<100000xf32, #tpu.memory_space<vmem>>)
      %scan3A_92 = arith.constant 0 : i32
      %scan3A_93 = arith.constant 0 : i32
      %scan3A_94 = arith.constant 8 : i32
      %scan3A_95 = arith.addi %scan3A_93, %scan3A_94 : i32
      %scan3A_96 = arith.constant 1 : i32
      scf.for %scan3A_100 = %scan3A_93 to %scan3A_95 step %scan3A_96  : i32 {
        %mul3A_101 = arith.constant 8 : i32
        %mul3A_102 = arith.muli %scan3A_85, %mul3A_101 : i32
        %add3A_103 = arith.addi %mul3A_102, %scan3A_100 : i32
        %jit3A = arith.constant 8 : i32
        %div3A = arith.divsi %add3A_103, %jit3A : i32
        %sign3A = arith.constant 0 : i32
        %sign3A_104 = arith.cmpi sgt, %add3A_103, %sign3A : i32
        %sign3A_105 = arith.extui %sign3A_104 : i1 to i32
        %sign3A_106 = arith.constant 0 : i32
        %sign3A_107 = arith.cmpi slt, %add3A_103, %sign3A_106 : i32
        %sign3A_108 = arith.extui %sign3A_107 : i1 to i32
        %sign3A_109 = arith.subi %sign3A_105, %sign3A_108 : i32
        %sign3A_110 = arith.constant 0 : i32
        %sign3A_111 = arith.cmpi sgt, %jit3A, %sign3A_110 : i32
        %sign3A_112 = arith.extui %sign3A_111 : i1 to i32
        %sign3A_113 = arith.constant 0 : i32
        %sign3A_114 = arith.cmpi slt, %jit3A, %sign3A_113 : i32
        %sign3A_115 = arith.extui %sign3A_114 : i1 to i32
        %sign3A_116 = arith.subi %sign3A_112, %sign3A_115 : i32
        %ne3A = arith.cmpi ne, %sign3A_109, %sign3A_116 : i32
        %rem3A = arith.remsi %add3A_103, %jit3A : i32
        %ne3A_117 = arith.constant 0 : i32
        %ne3A_118 = arith.cmpi ne, %rem3A, %ne3A_117 : i32
        %and3A = arith.andi %ne3A, %ne3A_118 : i1
        %sub3A = arith.constant 1 : i32
        %sub3A_119 = arith.subi %div3A, %sub3A : i32
        %select_n3A = arith.select %and3A, %sub3A_119, %div3A : i32
        %jit3A_120 = arith.constant 8 : i32
        %eq3A = arith.constant 0 : i32
        %eq3A_121 = arith.cmpi eq, %jit3A_120, %eq3A : i32
        %jit3A_122 = arith.constant 1 : i32
        %select_n3A_123 = arith.select %eq3A_121, %jit3A_122, %jit3A_120 : i32
        %rem3A_124 = arith.remsi %add3A_103, %select_n3A_123 : i32
        %ne3A_125 = arith.constant 0 : i32
        %ne3A_126 = arith.cmpi ne, %rem3A_124, %ne3A_125 : i32
        %lt3A_127 = arith.constant 0 : i32
        %lt3A_128 = arith.cmpi slt, %rem3A_124, %lt3A_127 : i32
        %lt3A_129 = arith.constant 0 : i32
        %lt3A_130 = arith.cmpi slt, %select_n3A_123, %lt3A_129 : i32
        %ne3A_131 = arith.xori %lt3A_128, %lt3A_130 : i1
        %and3A_132 = arith.andi %ne3A_131, %ne3A_126 : i1
        %add3A_133 = arith.addi %rem3A_124, %select_n3A_123 : i32
        %select_n3A_134 = arith.select %and3A_132, %add3A_133, %rem3A_124 : i32
        %jit3A_135 = arith.constant 4 : i32
        %eq3A_136 = arith.constant 0 : i32
        %eq3A_137 = arith.cmpi eq, %jit3A_135, %eq3A_136 : i32
        %jit3A_138 = arith.constant 1 : i32
        %select_n3A_139 = arith.select %eq3A_137, %jit3A_138, %jit3A_135 : i32
        %rem3A_140 = arith.remsi %add3A_103, %select_n3A_139 : i32
        %ne3A_141 = arith.constant 0 : i32
        %ne3A_142 = arith.cmpi ne, %rem3A_140, %ne3A_141 : i32
        %lt3A_143 = arith.constant 0 : i32
        %lt3A_144 = arith.cmpi slt, %rem3A_140, %lt3A_143 : i32
        %lt3A_145 = arith.constant 0 : i32
        %lt3A_146 = arith.cmpi slt, %select_n3A_139, %lt3A_145 : i32
        %ne3A_147 = arith.xori %lt3A_144, %lt3A_146 : i1
        %and3A_148 = arith.andi %ne3A_147, %ne3A_142 : i1
        %add3A_149 = arith.addi %rem3A_140, %select_n3A_139 : i32
        %select_n3A_150 = arith.select %and3A_148, %add3A_149, %rem3A_140 : i32
        %jit3A_151 = arith.constant 4 : i32
        %eq3A_152 = arith.constant 0 : i32
        %eq3A_153 = arith.cmpi eq, %jit3A_151, %eq3A_152 : i32
        %jit3A_154 = arith.constant 1 : i32
        %select_n3A_155 = arith.select %eq3A_153, %jit3A_154, %jit3A_151 : i32
        %rem3A_156 = arith.remsi %add3A_103, %select_n3A_155 : i32
        %ne3A_157 = arith.constant 0 : i32
        %ne3A_158 = arith.cmpi ne, %rem3A_156, %ne3A_157 : i32
        %lt3A_159 = arith.constant 0 : i32
        %lt3A_160 = arith.cmpi slt, %rem3A_156, %lt3A_159 : i32
        %lt3A_161 = arith.constant 0 : i32
        %lt3A_162 = arith.cmpi slt, %select_n3A_155, %lt3A_161 : i32
        %ne3A_163 = arith.xori %lt3A_160, %lt3A_162 : i1
        %and3A_164 = arith.andi %ne3A_163, %ne3A_158 : i1
        %add3A_165 = arith.addi %rem3A_156, %select_n3A_155 : i32
        %select_n3A_166 = arith.select %and3A_164, %add3A_165, %rem3A_156 : i32
        %dma_wait3A_167 = arith.constant 0 : i32
        %dma_wait3A_168 = tpu.memref_slice %arg6[%select_n3A_150, %dma_wait3A_167] : memref<4x2048xi32, #tpu.memory_space<vmem>> -> memref<1x2048xi32, #tpu.memory_space<vmem>>
        %dma_wait3A_169 = tpu.memref_squeeze %dma_wait3A_168 : memref<1x2048xi32, #tpu.memory_space<vmem>> -> memref<2048xi32, #tpu.memory_space<vmem>>
        %dma_wait3A_170 = arith.constant 0 : i32
        %dma_wait3A_171 = tpu.memref_slice %arg3[%select_n3A, %select_n3A_134, %dma_wait3A_170] : memref<26x8x2048xi32, #tpu.memory_space<hbm>> -> memref<1x1x2048xi32, #tpu.memory_space<hbm>>
        %dma_wait3A_172 = tpu.memref_squeeze %dma_wait3A_171 : memref<1x1x2048xi32, #tpu.memory_space<hbm>> -> memref<2048xi32, #tpu.memory_space<hbm>>
        %dma_wait3A_173 = tpu.memref_slice %arg9[%select_n3A_166] : memref<4x!tpu.dma_semaphore, #tpu.memory_space<semaphore_mem>> -> memref<1x!tpu.dma_semaphore, #tpu.memory_space<semaphore_mem>>
        %dma_wait3A_174 = tpu.memref_squeeze %dma_wait3A_173 : memref<1x!tpu.dma_semaphore, #tpu.memory_space<semaphore_mem>> -> memref<!tpu.dma_semaphore, #tpu.memory_space<semaphore_mem>>
        %dma_wait3A_175 = arith.constant 0 : i32
        %dma_wait3A_176 = tpu.memref_slice %arg6[%select_n3A_150, %dma_wait3A_175] : memref<4x2048xi32, #tpu.memory_space<vmem>> -> memref<1x2048xi32, #tpu.memory_space<vmem>>
        %dma_wait3A_177 = tpu.memref_squeeze %dma_wait3A_176 : memref<1x2048xi32, #tpu.memory_space<vmem>> -> memref<2048xi32, #tpu.memory_space<vmem>>
        %dma_wait3A_178 = arith.constant 0 : i32
        %dma_wait3A_179 = tpu.memref_slice %arg3[%select_n3A, %select_n3A_134, %dma_wait3A_178] : memref<26x8x2048xi32, #tpu.memory_space<hbm>> -> memref<1x1x2048xi32, #tpu.memory_space<hbm>>
        %dma_wait3A_180 = tpu.memref_squeeze %dma_wait3A_179 : memref<1x1x2048xi32, #tpu.memory_space<hbm>> -> memref<2048xi32, #tpu.memory_space<hbm>>
        tpu.wait_dma2 semaphore(%dma_wait3A_174 : memref<!tpu.dma_semaphore, #tpu.memory_space<semaphore_mem>>) src(%dma_wait3A_180 : memref<2048xi32, #tpu.memory_space<hbm>>) dst(%dma_wait3A_177 : memref<2048xi32, #tpu.memory_space<vmem>>)
        %jit3A_181 = arith.constant 4 : i32
        %eq3A_182 = arith.constant 0 : i32
        %eq3A_183 = arith.cmpi eq, %jit3A_181, %eq3A_182 : i32
        %jit3A_184 = arith.constant 1 : i32
        %select_n3A_185 = arith.select %eq3A_183, %jit3A_184, %jit3A_181 : i32
        %rem3A_186 = arith.remsi %add3A_103, %select_n3A_185 : i32
        %ne3A_187 = arith.constant 0 : i32
        %ne3A_188 = arith.cmpi ne, %rem3A_186, %ne3A_187 : i32
        %lt3A_189 = arith.constant 0 : i32
        %lt3A_190 = arith.cmpi slt, %rem3A_186, %lt3A_189 : i32
        %lt3A_191 = arith.constant 0 : i32
        %lt3A_192 = arith.cmpi slt, %select_n3A_185, %lt3A_191 : i32
        %ne3A_193 = arith.xori %lt3A_190, %lt3A_192 : i1
        %and3A_194 = arith.andi %ne3A_193, %ne3A_188 : i1
        %add3A_195 = arith.addi %rem3A_186, %select_n3A_185 : i32
        %select_n3A_196 = arith.select %and3A_194, %add3A_195, %rem3A_186 : i32
        %parallel_loop3A = arith.constant 0 : i32
        %parallel_loop3A_197 = arith.constant 128 : i32
        %parallel_loop3A_198 = arith.constant 1 : i32
        scf.for %parallel_loop3A_208 = %parallel_loop3A to %parallel_loop3A_197 step %parallel_loop3A_198  : i32 {
          %parallel_loop3A_209 = arith.constant 16 : i32
          %parallel_loop3A_210 = arith.muli %parallel_loop3A_208, %parallel_loop3A_209 : i32
          %parallel_loop3A_211 = arith.index_cast %select_n3A_196 : i32 to index
          %parallel_loop3A_212 = arith.index_cast %parallel_loop3A_210 : i32 to index
          %parallel_loop3A_213 = tpu.vector_load %arg6[%parallel_loop3A_211, %parallel_loop3A_212] {strides = array<i32>} : memref<4x2048xi32, #tpu.memory_space<vmem>>, vector<16xi32>,
          %parallel_loop3A_214 = tpu.vector_load_idx %arg5[%parallel_loop3A_213] : memref<100000xf32, #tpu.memory_space<vmem>>[vector<16xi32>], vector<16xf32>,
          %parallel_loop3A_215 = arith.constant 2048 : i32
          %parallel_loop3A_216 = arith.muli %scan3A_100, %parallel_loop3A_215 : i32
          %parallel_loop3A_217 = arith.constant 16 : i32
          %parallel_loop3A_218 = arith.muli %parallel_loop3A_208, %parallel_loop3A_217 : i32
          %parallel_loop3A_219 = arith.addi %parallel_loop3A_216, %parallel_loop3A_218 : i32
          %parallel_loop3A_220 = arith.index_cast %parallel_loop3A_219 : i32 to index
          %parallel_loop3A_221 = tpu.vector_load %arg7[%parallel_loop3A_220] {strides = array<i32>} : memref<16384xf32, #tpu.memory_space<vmem>>, vector<16xf32>,
          tpu.vector_store %arg7[%parallel_loop3A_220], %parallel_loop3A_214 {add = true, strides = array<i32>} : memref<16384xf32, #tpu.memory_space<vmem>>, vector<16xf32>,
        } {sc.loop_unroll_factor = 16 : i64, sc.parallel_access}
        %add3A_199 = arith.constant 4 : i32
        %add3A_200 = arith.addi %add3A_103, %add3A_199 : i32
        %sub3A_201 = arith.constant 1 : i32
        %sub3A_202 = arith.subi %add3A_200, %sub3A_201 : i32
        %lt3A_203 = arith.constant 208 : i32
        %lt3A_204 = arith.cmpi slt, %sub3A_202, %lt3A_203 : i32
        %convert_element_type3A_205 = arith.extui %lt3A_204 : i1 to i32
        %cond3A_206 = arith.constant 0 : i32
        %cond3A_207 = arith.cmpi ne, %convert_element_type3A_205, %cond3A_206 : i32
        scf.if %cond3A_207 {
          %jit3A_208 = arith.constant 8 : i32
          %div3A_209 = arith.divsi %sub3A_202, %jit3A_208 : i32
          %sign3A_210 = arith.constant 0 : i32
          %sign3A_211 = arith.cmpi sgt, %sub3A_202, %sign3A_210 : i32
          %sign3A_212 = arith.extui %sign3A_211 : i1 to i32
          %sign3A_213 = arith.constant 0 : i32
          %sign3A_214 = arith.cmpi slt, %sub3A_202, %sign3A_213 : i32
          %sign3A_215 = arith.extui %sign3A_214 : i1 to i32
          %sign3A_216 = arith.subi %sign3A_212, %sign3A_215 : i32
          %sign3A_217 = arith.constant 0 : i32
          %sign3A_218 = arith.cmpi sgt, %jit3A_208, %sign3A_217 : i32
          %sign3A_219 = arith.extui %sign3A_218 : i1 to i32
          %sign3A_220 = arith.constant 0 : i32
          %sign3A_221 = arith.cmpi slt, %jit3A_208, %sign3A_220 : i32
          %sign3A_222 = arith.extui %sign3A_221 : i1 to i32
          %sign3A_223 = arith.subi %sign3A_219, %sign3A_222 : i32
          %ne3A_224 = arith.cmpi ne, %sign3A_216, %sign3A_223 : i32
          %rem3A_225 = arith.remsi %sub3A_202, %jit3A_208 : i32
          %ne3A_226 = arith.constant 0 : i32
          %ne3A_227 = arith.cmpi ne, %rem3A_225, %ne3A_226 : i32
          %and3A_228 = arith.andi %ne3A_224, %ne3A_227 : i1
          %sub3A_229 = arith.constant 1 : i32
          %sub3A_230 = arith.subi %div3A_209, %sub3A_229 : i32
          %select_n3A_231 = arith.select %and3A_228, %sub3A_230, %div3A_209 : i32
          %jit3A_232 = arith.constant 8 : i32
          %eq3A_233 = arith.constant 0 : i32
          %eq3A_234 = arith.cmpi eq, %jit3A_232, %eq3A_233 : i32
          %jit3A_235 = arith.constant 1 : i32
          %select_n3A_236 = arith.select %eq3A_234, %jit3A_235, %jit3A_232 : i32
          %rem3A_237 = arith.remsi %sub3A_202, %select_n3A_236 : i32
          %ne3A_238 = arith.constant 0 : i32
          %ne3A_239 = arith.cmpi ne, %rem3A_237, %ne3A_238 : i32
          %lt3A_240 = arith.constant 0 : i32
          %lt3A_241 = arith.cmpi slt, %rem3A_237, %lt3A_240 : i32
          %lt3A_242 = arith.constant 0 : i32
          %lt3A_243 = arith.cmpi slt, %select_n3A_236, %lt3A_242 : i32
          %ne3A_244 = arith.xori %lt3A_241, %lt3A_243 : i1
          %and3A_245 = arith.andi %ne3A_244, %ne3A_239 : i1
          %add3A_246 = arith.addi %rem3A_237, %select_n3A_236 : i32
          %select_n3A_247 = arith.select %and3A_245, %add3A_246, %rem3A_237 : i32
          %jit3A_248 = arith.constant 4 : i32
          %eq3A_249 = arith.constant 0 : i32
          %eq3A_250 = arith.cmpi eq, %jit3A_248, %eq3A_249 : i32
          %jit3A_251 = arith.constant 1 : i32
          %select_n3A_252 = arith.select %eq3A_250, %jit3A_251, %jit3A_248 : i32
          %rem3A_253 = arith.remsi %sub3A_202, %select_n3A_252 : i32
          %ne3A_254 = arith.constant 0 : i32
          %ne3A_255 = arith.cmpi ne, %rem3A_253, %ne3A_254 : i32
          %lt3A_256 = arith.constant 0 : i32
          %lt3A_257 = arith.cmpi slt, %rem3A_253, %lt3A_256 : i32
          %lt3A_258 = arith.constant 0 : i32
          %lt3A_259 = arith.cmpi slt, %select_n3A_252, %lt3A_258 : i32
          %ne3A_260 = arith.xori %lt3A_257, %lt3A_259 : i1
          %and3A_261 = arith.andi %ne3A_260, %ne3A_255 : i1
          %add3A_262 = arith.addi %rem3A_253, %select_n3A_252 : i32
          %select_n3A_263 = arith.select %and3A_261, %add3A_262, %rem3A_253 : i32
          %jit3A_264 = arith.constant 4 : i32
          %eq3A_265 = arith.constant 0 : i32
          %eq3A_266 = arith.cmpi eq, %jit3A_264, %eq3A_265 : i32
          %jit3A_267 = arith.constant 1 : i32
          %select_n3A_268 = arith.select %eq3A_266, %jit3A_267, %jit3A_264 : i32
          %rem3A_269 = arith.remsi %sub3A_202, %select_n3A_268 : i32
          %ne3A_270 = arith.constant 0 : i32
          %ne3A_271 = arith.cmpi ne, %rem3A_269, %ne3A_270 : i32
          %lt3A_272 = arith.constant 0 : i32
          %lt3A_273 = arith.cmpi slt, %rem3A_269, %lt3A_272 : i32
          %lt3A_274 = arith.constant 0 : i32
          %lt3A_275 = arith.cmpi slt, %select_n3A_268, %lt3A_274 : i32
          %ne3A_276 = arith.xori %lt3A_273, %lt3A_275 : i1
          %and3A_277 = arith.andi %ne3A_276, %ne3A_271 : i1
          %add3A_278 = arith.addi %rem3A_269, %select_n3A_268 : i32
          %select_n3A_279 = arith.select %and3A_277, %add3A_278, %rem3A_269 : i32
          %dma_start3A_280 = arith.constant 0 : i32
          %dma_start3A_281 = tpu.memref_slice %arg6[%select_n3A_263, %dma_start3A_280] : memref<4x2048xi32, #tpu.memory_space<vmem>> -> memref<1x2048xi32, #tpu.memory_space<vmem>>
          %dma_start3A_282 = tpu.memref_squeeze %dma_start3A_281 : memref<1x2048xi32, #tpu.memory_space<vmem>> -> memref<2048xi32, #tpu.memory_space<vmem>>
          %dma_start3A_283 = arith.constant 0 : i32
          %dma_start3A_284 = tpu.memref_slice %arg3[%select_n3A_231, %select_n3A_247, %dma_start3A_283] : memref<26x8x2048xi32, #tpu.memory_space<hbm>> -> memref<1x1x2048xi32, #tpu.memory_space<hbm>>
          %dma_start3A_285 = tpu.memref_squeeze %dma_start3A_284 : memref<1x1x2048xi32, #tpu.memory_space<hbm>> -> memref<2048xi32, #tpu.memory_space<hbm>>
          %dma_start3A_286 = tpu.memref_slice %arg9[%select_n3A_279] : memref<4x!tpu.dma_semaphore, #tpu.memory_space<semaphore_mem>> -> memref<1x!tpu.dma_semaphore, #tpu.memory_space<semaphore_mem>>
          %dma_start3A_287 = tpu.memref_squeeze %dma_start3A_286 : memref<1x!tpu.dma_semaphore, #tpu.memory_space<semaphore_mem>> -> memref<!tpu.dma_semaphore, #tpu.memory_space<semaphore_mem>>
          %dma_start3A_288 = arith.constant 0 : i32
          %dma_start3A_289 = tpu.memref_slice %arg6[%select_n3A_263, %dma_start3A_288] : memref<4x2048xi32, #tpu.memory_space<vmem>> -> memref<1x2048xi32, #tpu.memory_space<vmem>>
          %dma_start3A_290 = tpu.memref_squeeze %dma_start3A_289 : memref<1x2048xi32, #tpu.memory_space<vmem>> -> memref<2048xi32, #tpu.memory_space<vmem>>
          %dma_start3A_291 = arith.constant 0 : i32
          %dma_start3A_292 = tpu.memref_slice %arg3[%select_n3A_231, %select_n3A_247, %dma_start3A_291] : memref<26x8x2048xi32, #tpu.memory_space<hbm>> -> memref<1x1x2048xi32, #tpu.memory_space<hbm>>
          %dma_start3A_293 = tpu.memref_squeeze %dma_start3A_292 : memref<1x1x2048xi32, #tpu.memory_space<hbm>> -> memref<2048xi32, #tpu.memory_space<hbm>>
          tpu.enqueue_dma source(%dma_start3A_293 : memref<2048xi32, #tpu.memory_space<hbm>>) target(%dma_start3A_290 : memref<2048xi32, #tpu.memory_space<vmem>>) target_semaphore(%dma_start3A_287 : memref<!tpu.dma_semaphore, #tpu.memory_space<semaphore_mem>>)
        } else {
        }
      }
      %scan3A_97 = arith.constant 8 : i32
      %lt3A = arith.constant 25 : i32
      %lt3A_98 = arith.cmpi slt, %scan3A_85, %lt3A : i32
      %convert_element_type3A = arith.extui %lt3A_98 : i1 to i32
      %cond3A = arith.constant 0 : i32
      %cond3A_99 = arith.cmpi ne, %convert_element_type3A, %cond3A : i32
      scf.if %cond3A_99 {
        %add3A_100 = arith.constant 1 : i32
        %add3A_101 = arith.addi %scan3A_85, %add3A_100 : i32
        %dma_start3A_102 = arith.constant 0 : i32
        %dma_start3A_103 = tpu.memref_slice %arg2[%add3A_101, %add3A, %dma_start3A_102] : memref<26x32x100000xf32, #tpu.memory_space<hbm>> -> memref<1x1x100000xf32, #tpu.memory_space<hbm>>
        %dma_start3A_104 = tpu.memref_squeeze %dma_start3A_103 : memref<1x1x100000xf32, #tpu.memory_space<hbm>> -> memref<100000xf32, #tpu.memory_space<hbm>>
        %dma_start3A_105 = arith.constant 0 : i32
        %dma_start3A_106 = tpu.memref_slice %arg2[%add3A_101, %add3A, %dma_start3A_105] : memref<26x32x100000xf32, #tpu.memory_space<hbm>> -> memref<1x1x100000xf32, #tpu.memory_space<hbm>>
        %dma_start3A_107 = tpu.memref_squeeze %dma_start3A_106 : memref<1x1x100000xf32, #tpu.memory_space<hbm>> -> memref<100000xf32, #tpu.memory_space<hbm>>
        tpu.enqueue_dma source(%dma_start3A_107 : memref<100000xf32, #tpu.memory_space<hbm>>) target(%arg5 : memref<100000xf32, #tpu.memory_space<vmem>>) target_semaphore(%arg8 : memref<!tpu.dma_semaphore, #tpu.memory_space<semaphore_mem>>)
      } else {
      }
    }
    %scan3A_84 = arith.constant 25 : i32
    "tpu.region"() ({
      %run_scoped3A = tpu.sem_alloc : memref<!tpu.dma_semaphore, #tpu.memory_space<semaphore_mem>>
      %dma_start3A_85 = arith.constant 0 : i32
      %dma_start3A_86 = tpu.memref_slice %arg4[%add3A, %dma_start3A_85] : memref<32x16384xf32, #tpu.memory_space<hbm>> -> memref<1x16384xf32, #tpu.memory_space<hbm>>
      %dma_start3A_87 = tpu.memref_squeeze %dma_start3A_86 : memref<1x16384xf32, #tpu.memory_space<hbm>> -> memref<16384xf32, #tpu.memory_space<hbm>>
      %dma_start3A_88 = arith.constant 0 : i32
      %dma_start3A_89 = tpu.memref_slice %arg4[%add3A, %dma_start3A_88] : memref<32x16384xf32, #tpu.memory_space<hbm>> -> memref<1x16384xf32, #tpu.memory_space<hbm>>
      %dma_start3A_90 = tpu.memref_squeeze %dma_start3A_89 : memref<1x16384xf32, #tpu.memory_space<hbm>> -> memref<16384xf32, #tpu.memory_space<hbm>>
      tpu.enqueue_dma source(%arg7 : memref<16384xf32, #tpu.memory_space<vmem>>) target(%dma_start3A_90 : memref<16384xf32, #tpu.memory_space<hbm>>) target_semaphore(%run_scoped3A : memref<!tpu.dma_semaphore, #tpu.memory_space<semaphore_mem>>)
      %dma_wait3A_91 = arith.constant 0 : i32
      %dma_wait3A_92 = tpu.memref_slice %arg4[%add3A, %dma_wait3A_91] : memref<32x16384xf32, #tpu.memory_space<hbm>> -> memref<1x16384xf32, #tpu.memory_space<hbm>>
      %dma_wait3A_93 = tpu.memref_squeeze %dma_wait3A_92 : memref<1x16384xf32, #tpu.memory_space<hbm>> -> memref<16384xf32, #tpu.memory_space<hbm>>
      %dma_wait3A_94 = arith.constant 0 : i32
      %dma_wait3A_95 = tpu.memref_slice %arg4[%add3A, %dma_wait3A_94] : memref<32x16384xf32, #tpu.memory_space<hbm>> -> memref<1x16384xf32, #tpu.memory_space<hbm>>
      %dma_wait3A_96 = tpu.memref_squeeze %dma_wait3A_95 : memref<1x16384xf32, #tpu.memory_space<hbm>> -> memref<16384xf32, #tpu.memory_space<hbm>>
      tpu.wait_dma2 semaphore(%run_scoped3A : memref<!tpu.dma_semaphore, #tpu.memory_space<semaphore_mem>>) src(%arg7 : memref<16384xf32, #tpu.memory_space<vmem>>) dst(%dma_wait3A_96 : memref<16384xf32, #tpu.memory_space<hbm>>)
      tpu.yield
    }) : () -> ()
    return
  }
}

</mosaic_0001>

<sc_bundles>
// kernel: kernel.3.cloned.1.call-start
scs
__scs_entry_jumppad:
0x0: {  	(pc) =	sbr.rel $0x88, $3  }
0x1: {  	(tag) =	ssettag $0x0;
	lr =	simm.s32 $0x1  }
0x2: {  	[smem:$0x3F9F] =	sst lr;
	_ =	strace $0xD0000000  }
0x3: {  	_ = 	snop  }
0x4: {  	_ = 	snop  }
0x5: {  	_ = 	snop  }
0x6: {  	_ = 	snop  }
0x7: {  	_ = 	snop  }
__scs_overlays_trampoline_lowered:
0x8: {  	[smem:$0x3FAE] =	sst s0  }
0x9: {  	[smem:$0x3FAF] =	sst s1  }
0xa: {  	[smem:$0x3FB0] =	sst s2  }
0xb: {  	[smem:$0x3FB1] =	sst s3  }
0xc: {  	[smem:$0x3FB2] =	sst s4  }
0xd: {  	[smem:$0x3FB3] =	sst s5  }
0xe: {  	[smem:$0x3FB4] =	sst s6  }
0xf: {  	[smem:$0x3FB5] =	sst s7  }
0x10: {  	[smem:$0x3FB6] =	sst s8  }
0x11: {  	[smem:$0x3FB7] =	sst s9;
	s0 =	simm.s32 @!p0 $0x0  }
0x12: {  	s1 =	sld [smem:$0x3F9D];
	s0 =	simm.s32 @p0 $0x1  }
0x13: {  	[smem:$0x3FB8] =	sst s0;
	s0 =	simm.s32 @!p1 $0x0  }
0x14: {  	s2 =	sld [smem:$0x3F9C];
	s0 =	simm.s32 @p1 $0x1  }
0x15: {  	[smem:$0x3FB9] =	sst s0;
	s0 =	simm.s32 @!p2 $0x0  }
0x16: {  	s3 =	sld [smem:$0x3FDB];
	s0 =	simm.s32 @p2 $0x1  }
0x17: {  	s4 =	simm.s32 $0x1BF5;
	[smem:$0x3FBB] =	sst s0  }
0x18: {  	s0 =	sld [smem:$0x3F9E];
	_ =	swait.ge [sflag:s4], $0x0  }
0x19: {  	s7 =	sld [smem:$0x3F9F]  }
0x1a: {  	s8 =	sadd.s32 $0xFFFFE003, lr  }
0x1b: {  	s9 =	sadd.s32 $0xFFFFFEF7, lr;
	s5 =	simm.s32 $0xFFFFFFFF;
	p2 =	slt.u32 s8, $0xFFFFF086  }
0x1c: {  	p1 =	slt.u32 s9, $0xF7A;
	s5 =	simm.s32 @!p2 $0x0  }
0x1d: {  	s5 =	simm.s32 @p1 $0x1;
	p0 =	seq.s32 s7, s2  }
0x1e: {  	s7 =	smul.u32 @!p0 $0xF7A, s2;
	p2 =	seq.s32 @!p0 s5, $0x0  }
0x1f: {  	s9 =	smul.u32 $0xF7A, s1;
	s8 =	simm.s32 @!p0 $0x1BF5;
	p2 =	por !p2, p0  }
0x20: {  	[sflag:s8] =	ssyncset.s32 @!p0 $0xFFFFF086;
	s6 =	sadd.s32 @!p0 s3, s7;
	s7 =	simm.s32 @!p0 $0x108  }
0x21: {  	s3 =	sadd.s32 s3, s9;
	s6 =	sadd.s32 @!p0 $0x88, s6;
	s7 =	simm.s32 @p2 $0x1082  }
0x22: {  	[simem:s7], [sflag:s8] =	dma.local @!p0 [hbm:s6], $0xF7A  }
0x23: {  	s9 =	sor.u32 $0xD0000000, s2;
	s6 =	simm.s32 $0x108;
	_ =	swait.ge @!p0 [sflag:s8], $0x0  }
0x24: {  	s3 =	sadd.s32 $0x88, s3;
	s6 =	simm.s32 @!p1 $0x1082;
	[sflag:s4] =	ssyncset.s32 $0xFFFFF086  }
0x25: {  	[simem:s6], [sflag:s4] =	dma.local [hbm:s3], $0xF7A  }
0x26: {  	[smem:$0x3F9F] =	sst s1;
	(tag) =	ssettag s2;
	_ =	strace s9  }
0x27: {  	s1 =	sld [smem:$0x3FAF]  }
0x28: {  	s2 =	sld [smem:$0x3FB0]  }
0x29: {  	s4 =	sld [smem:$0x3FB2]  }
0x2a: {  	p0 =	seq.s32 s5, $0x0;
	s5 =	sld [smem:$0x3FB3]  }
0x2b: {  	s6 =	sld [smem:$0x3FB4]  }
0x2c: {  	s7 =	sld [smem:$0x3FB5]  }
0x2d: {  	s3 =	simm.s32 $0x108;
	s8 =	sld [smem:$0x3FB6]  }
0x2e: {  	s3 =	simm.s32 @!p0 $0x1082;
	s9 =	sld [smem:$0x3FB7]  }
0x2f: {  	lr =	sadd.s32 s0, s3;
	s0 =	sld [smem:$0x3FAE]  }
0x30: {  	s3 =	sld [smem:$0x3FB1]  }
0x31: {  	[smem:$0x3FBA] =	sst s10  }
0x32: {  	s10 =	sld [smem:$0x3FB8];
	_ =	sdelay $0x3  }
0x33: {  	p0 =	seq.s32 s10, $0x1;
	s10 =	sld [smem:$0x3FBA];
	_ =	sdelay $0x3  }
0x34: {  	[smem:$0x3FBA] =	sst s10  }
0x35: {  	s10 =	sld [smem:$0x3FB9];
	_ =	sdelay $0x3  }
0x36: {  	p1 =	seq.s32 s10, $0x1;
	s10 =	sld [smem:$0x3FBA];
	_ =	sdelay $0x3  }
0x37: {  	[smem:$0x3FBA] =	sst s10  }
0x38: {  	s10 =	sld [smem:$0x3FBB]  }
0x39: {  	_ = 	snop;
	(pc) =	sbr.ind lr, $3  }
0x3a: {  	_ = 	snop  }
0x3b: {  	_ = 	snop  }
0x3c: {  	p2 =	seq.s32 s10, $0x1;
	s10 =	sld [smem:$0x3FBA]  }
0x3d: {  	_ =	shalt  }
0x3e: {  	_ =	shalt  }
0x3f: {  	_ =	shalt  }
0x40: {  	_ =	shalt  }
0x41: {  	_ =	shalt  }
0x42: {  	_ =	shalt  }
0x43: {  	_ =	shalt  }
0x44: {  	_ =	shalt  }
0x45: {  	_ =	shalt  }
0x46: {  	_ =	shalt  }
0x47: {  	_ =	shalt  }
0x48: {  	_ =	shalt  }
0x49: {  	_ =	shalt  }
0x4a: {  	_ =	shalt  }
0x4b: {  	_ =	shalt  }
0x4c: {  	_ =	shalt  }
0x4d: {  	_ =	shalt  }
0x4e: {  	_ =	shalt  }
0x4f: {  	_ =	shalt  }
0x50: {  	_ =	shalt  }
0x51: {  	_ =	shalt  }
0x52: {  	_ =	shalt  }
0x53: {  	_ =	shalt  }
0x54: {  	_ =	shalt  }
0x55: {  	_ =	shalt  }
0x56: {  	_ =	shalt  }
0x57: {  	_ =	shalt  }
0x58: {  	_ =	shalt  }
0x59: {  	_ =	shalt  }
0x5a: {  	_ =	shalt  }
0x5b: {  	_ =	shalt  }
0x5c: {  	_ =	shalt  }
0x5d: {  	_ =	shalt  }
0x5e: {  	_ =	shalt  }
0x5f: {  	_ =	shalt  }
0x60: {  	_ =	shalt  }
0x61: {  	_ =	shalt  }
0x62: {  	_ =	shalt  }
0x63: {  	_ =	shalt  }
0x64: {  	_ =	shalt  }
0x65: {  	_ =	shalt  }
0x66: {  	_ =	shalt  }
0x67: {  	_ =	shalt  }
0x68: {  	_ =	shalt  }
0x69: {  	_ =	shalt  }
0x6a: {  	_ =	shalt  }
0x6b: {  	_ =	shalt  }
0x6c: {  	_ =	shalt  }
0x6d: {  	_ =	shalt  }
0x6e: {  	_ =	shalt  }
0x6f: {  	_ =	shalt  }
0x70: {  	_ =	shalt  }
0x71: {  	_ =	shalt  }
0x72: {  	_ =	shalt  }
0x73: {  	_ =	shalt  }
0x74: {  	_ =	shalt  }
0x75: {  	_ =	shalt  }
0x76: {  	_ =	shalt  }
0x77: {  	_ =	shalt  }
0x78: {  	_ =	shalt  }
0x79: {  	_ =	shalt  }
0x7a: {  	_ =	shalt  }
0x7b: {  	_ =	shalt  }
0x7c: {  	_ =	shalt  }
0x7d: {  	_ =	shalt  }
0x7e: {  	_ =	shalt  }
0x7f: {  	_ =	shalt  }
0x80: {  	_ =	shalt  }
0x81: {  	_ =	shalt  }
0x82: {  	_ =	shalt  }
0x83: {  	_ =	shalt  }
0x84: {  	_ =	shalt  }
0x85: {  	_ =	shalt  }
0x86: {  	_ =	shalt  }
0x87: {  	_ =	shalt  }
.Lfunc_end0:
.L_simem_size_0:
called_computation_lowered:
.L_overlay_start_0:
0x88: {  	s2 =	sld [smem:$0x3FD9]  }
0x89: {  	s3 =	sld [smem:$0x3FFE];
	_ =	sdelay $0x1  }
0x8a: {  	s1 =	srdreg.scid  }
0x8b: {  	s0 =	sand.u32 $0x1, s1  }
0x8c: {  	s17 =	sshll.u32 s0, $0xA;
	s2 =	sadd.s32 s3, s2  }
0x8d: {  	s2 =	sadd.s32 s2, s17  }
0x8e: {  	[smem:$0x3FC6] =	sst s2  }
0x8f: {  	_ = 	snop  }
0x90: {  	s2 =	sld [smem:$0x3FC9]  }
0x91: {  	s18 =	sld [smem:$0x3FD0];
	(tm) =	ssettm $0x1  }
0x92: {  	s4 =	sld [smem:$0x3FFB];
	_ =	sdelay $0x3  }
0x93: {  	_ =	strace s4  }
0x94: {  	s4 =	sld [smem:$0x3FFC];
	_ =	sdelay $0x3  }
0x95: {  	_ =	strace s4  }
0x96: {  	s4 =	sld [smem:$0x3FFD];
	_ =	sdelay $0x3  }
0x97: {  	_ =	strace s4  }
0x98: {  	_ =	strace $0x8FFFFFFF  }
0x99: {  	s19 =	sld [smem:$0x3FDB];
	_ =	sdelay $0x1  }
0x9a: {  	s5 =	simm.s32 $_scs_section_size  }
0x9b: {  	s6 =	simm.s32 $_size__tile_overlayer_lowered;
	s7 =	simm.s32 $_tile_overlayer_lowered  }
0x9c: {  	s22 =	simm.s32 $0x1BFF;
	s21 =	sshll.u32 s7, $0x1;
	s4 =	sadd.s32 s5, s19  }
0x9d: {  	s8 =	simm.s32 $0x0;
	s20 =	sshll.u32 s6, $0x1;
	s6 =	sadd.s32 s21, s4  }
0x9e: {  	[timem:s8], [sflag:s22] =	dma.local [hbm:s6], s20  }
0x9f: {  	_ =	swait.ge [sflag:s22], s20  }
0xa0: {  	s5 =	ssub.s32 $0x0, s20;
	[sflag:s22] =	ssyncset.done $0x0  }
0xa1: {  	[sflag:s22] =	ssyncadd.s32 s5;
	_ =	sdelay $0x1  }
0xa2: {  	s23 =	simm.s32 $0x1B8B  }
0xa3: {  	_ =	swait.ge [sflag:s23], $0x1  }
0xa4: {  	[sflag:s23] =	ssyncset.done $0x0  }
0xa5: {  	s25 =	simm.s32 $0x1B8E;
	s24 =	sld [smem:$0x3FFE];
	[sflag:s23] =	ssyncadd.s32 $0xFFFFFFFF  }
0xa6: {  	s26 =	simm.s32 $execute0_lowered;
	[smem:$0x3FD2] =	sst s25  }
0xa7: {  	s6 =	sshll.u32 s26, $0x1;
	_ =	strace $0x80000046;
	[dreg:$0x1] =	wrdreg $0xFFFFFFFF  }
0xa8: {  	s28 =	simm.s32 $_size_execute0_lowered;
	s4 =	sadd.s32 s4, s6;
	[dreg:$0x0] =	wrdreg $0x0  }
0xa9: {  	s6 =	sshll.u32 s28, $0x1;
	[dreg:$0x2] =	wrdreg s4  }
0xaa: {  	[dreg:$0x3] =	wrdreg s6  }
0xab: {  	[dreg:$0x4] =	wrdreg $0xC0  }
0xac: {  	_ =	task [dreg:s8], $0x5FFFF  }
0xad: {  	[dreg:$0x1] =	wrdreg $0xFFFFFFFF  }
0xae: {  	[dreg:$0x0] =	wrdreg $0x60  }
0xaf: {  	[dreg:$0x2] =	wrdreg s2  }
0xb0: {  	[dreg:$0x3] =	wrdreg s24  }
0xb1: {  	[dreg:$0x4] =	wrdreg s18  }
0xb2: {  	[dreg:$0x5] =	wrdreg $0x9  }
0xb3: {  	_ =	task.clear_ibuf [dreg:s8], $0x6FFFF;
	_ =	strace $0x90000046  }
0xb4: {  	s29 =	simm.s32 $0x9;
	_ =	strace $0x80000048  }
0xb5: {  	_ =	swait.ge [sflag:s29], $0x1  }
0xb6: {  	[sflag:s29] =	ssyncadd.s32 $0xFFFFFFFF  }
0xb7: {  	_ =	strace $0x90000048  }
0xb8: {  	_ =	sfence  }
0xb9: {  	s30 =	sld [smem:$0x0];
	_ =	sdelay $0x2  }
0xba: {  	s31 =	sshll.u32 s1, $0xD;
	s1 =	sshrl.u32 s1, $0x2  }
0xbb: {  	s3 =	sand.u32 $0x4000, s31;
	s1 =	sadd.s32 s1, s30  }
0xbc: {  	s0 =	sor.u32 s3, s0;
	s1 =	sshll.u32 s1, $0x11  }
0xbd: {  	s0 =	sor.u32 s1, s0  }
0xbe: {  	s0 =	sadd.s32 $0x8F2B, s0  }
0xbf: {  	[sflag:s0] =	ssyncadd.remote.s32 $0x1  }
0xc0: {  	_ =	sfence.sel $0xFFFF  }
0xc1: {  	[dreg:$0x0] =	wrdreg $0xFFFFFFFF;
	(pc) =	sbr.abs _section_cstart, $3  }
0xc2: {  	[dreg:$0x1] =	wrdreg $0xFFFFFFFF  }
0xc3: {  	_ =	task.clear_ibuf [dreg:s8], $0x2FFFF;
	_ =	strace $0x9FFFFFFF  }
0xc4: {  	(tm) =	ssettm $0x7FFFFFFF  }
0xc5: {  	_ =	shalt  }
tec
execute0_lowered:
.L_overlay_start_1:
0x0: {  	(tag) =	ssettag $0x1  }
0x1: {  	s1 =	rddreg [dreg:$0x0]  }
0x2: {  	s0 =	rddreg [dreg:$0x1]  }
0x3: {  	s2 =	rddreg [dreg:$0x2];
	s3 =	simm.s32 $0x0  }
0x4: {  	[smem:$0x7FF] =	sst s3;
	s26 =	sadd.s32 $0x410, s0  }
0x5: {  	s10 =	sadd.s32 $0x420, s0;
	_ =	strace $0x80000047;
	[dreg:$0x4] =	wrdreg s26  }
0x6: {  	s14 =	sadd.s32 $0x480, s0;
	[dreg:$0x5] =	wrdreg s10  }
0x7: {  	s15 =	sadd.s32 $0x500, s0;
	[dreg:$0xa] =	wrdreg s14  }
0x8: {  	s16 =	sadd.s32 $0x580, s0;
	[dreg:$0xb] =	wrdreg s15  }
0x9: {  	s17 =	sadd.s32 $0x600, s0;
	[dreg:$0xc] =	wrdreg s16  }
0xa: {  	s18 =	sadd.s32 $0x680, s0;
	[dreg:$0xd] =	wrdreg s17  }
0xb: {  	s19 =	sadd.s32 $0x700, s0;
	[dreg:$0xe] =	wrdreg s18  }
0xc: {  	s20 =	sadd.s32 $0x780, s0;
	[dreg:$0xf] =	wrdreg s19  }
0xd: {  	s21 =	sadd.s32 $0x800, s0;
	[dreg:$0x10] =	wrdreg s20  }
0xe: {  	s22 =	sadd.s32 $0x880, s0;
	[dreg:$0x11] =	wrdreg s21  }
0xf: {  	s23 =	sadd.s32 $0x900, s0;
	[dreg:$0x12] =	wrdreg s22  }
0x10: {  	s24 =	sadd.s32 $0x980, s0;
	[dreg:$0x13] =	wrdreg s23  }
0x11: {  	s25 =	sadd.s32 $0xA00, s0;
	[dreg:$0x14] =	wrdreg s24  }
0x12: {  	[dreg:$0x15] =	wrdreg s25;
	s26 =	sadd.s32 $0xA80, s0  }
0x13: {  	s10 =	sadd.s32 $0x590, s0;
	[dreg:$0x16] =	wrdreg s26  }
0x14: {  	s14 =	sadd.s32 $0x790, s0;
	[dreg:$0x1b] =	wrdreg s10  }
0x15: {  	s4 =	srdreg.scid;
	s15 =	sadd.s32 $0x810, s0;
	[dreg:$0x1f] =	wrdreg s14  }
0x16: {  	s9 =	stileid.u32;
	s16 =	sadd.s32 $0x890, s0;
	[smem:$0x7F2] =	sst s15  }
0x17: {  	s31 =	simm.s32 $0x80;
	s17 =	sadd.s32 $0x910, s0;
	[smem:$0x7F3] =	sst s16  }
0x18: {  	s5 =	sand.u32 $0x1, s4;
	s18 =	sadd.s32 $0x990, s0;
	[smem:$0x7F4] =	sst s17  }
0x19: {  	s28 =	sadd.s32 $0xAA0, s0;
	s19 =	sadd.s32 $0xA10, s0;
	[smem:$0x7F5] =	sst s18  }
0x1a: {  	s29 =	sadd.s32 $0xB20, s0;
	s20 =	sadd.s32 $0xA90, s0;
	[smem:$0x7F6] =	sst s19  }
0x1b: {  	s30 =	sadd.s32 $0xBA0, s0;
	s21 =	sadd.s32 $0xB10, s0;
	[smem:$0x7F7] =	sst s20  }
0x1c: {  	s4 =	sshll.u32 s5, $0x4;
	s22 =	sadd.s32 $0xB90, s0;
	[smem:$0x7F8] =	sst s21  }
0x1d: {  	s5 =	ssub.s32 $0x2, s5;
	s23 =	sadd.s32 $0x4A0, s0;
	[smem:$0x7F9] =	sst s22  }
0x1e: {  	s24 =	sadd.s32 $0x520, s0;
	s25 =	sadd.s32 $0x5A0, s0;
	[smem:$0x7FA] =	sst s23  }
0x1f: {  	s6 =	sor.u32 s9, s4;
	s4 =	sadd.s32 $0x400, s0;
	[smem:$0x7FB] =	sst s24  }
0x20: {  	s7 =	sshrl.u32 s5, $0x1;
	s9 =	sshll.u32 s9, $0x7;
	[smem:$0x7FC] =	sst s25  }
0x21: {  	s26 =	sadd.s32 $0x620, s0;
	s19 =	sadd.s32 $0x6A0, s0;
	s20 =	sadd.s32 $0x720, s0  }
0x22: {  	s21 =	sadd.s32 $0x7A0, s0;
	s22 =	sadd.s32 $0x820, s0;
	s23 =	sadd.s32 $0x8A0, s0  }
0x23: {  	s24 =	sadd.s32 $0x920, s0;
	s25 =	sadd.s32 $0x9A0, s0;
	s6 =	sshrl.u32 s6, $0x3  }
0x24: {  	s5 =	ssub.s32 s5, s7;
	s9 =	sand.u32 $0x380, s9;
	[smem:$0x7FD] =	sst s26  }
0x25: {  	s8 =	smul.u32 $0xC3800, s6;
	s6 =	sshll.u32 s6, $0x11;
	s13 =	smax.u32 s5, $0x1  }
0x26: {  	s5 =	sadd.s32 $0xB00, s0;
	s6 =	sor.u32 s9, s6;
	[dreg:$0x9] =	wrdreg s13  }
0x27: {  	[dreg:$0x17] =	wrdreg s5;
	s13 =	sadd.s32 $0x710, s0;
	s11 =	sor.u32 s9, s8  }
0x28: {  	s6 =	sshrl.u32 s6, $0x3;
	s9 =	sadd.s32 $0x510, s0;
	[dreg:$0x1e] =	wrdreg s13  }
0x29: {  	s8 =	sshrl.u32 s11, $0x3;
	s2 =	sadd.s32 s2, s6;
	[dreg:$0x1a] =	wrdreg s9  }
0x2a: {  	s7 =	sadd.s32 $0x30E000, s11;
	s6 =	sadd.s32 $0xB80, s0;
	[dreg:$0x8] =	wrdreg s2  }
0x2b: {  	s11 =	sadd.s32 $0x610, s0;
	s8 =	sadd.s32 s1, s8;
	[dreg:$0x18] =	wrdreg s6  }
.Ltmp0:
0x2c: {  	s12 =	sshrl.u32 s7, $0x3;
	[dreg:$0x1c] =	wrdreg s11;
	(pc) =	sbr.rel .LBB2_1-.Ltmp0, $4  }
0x2d: {  	s26 =	sadd.s32 $0xA20, s0;
	[dreg:$0x6] =	wrdreg s8;
	s8 =	sadd.s32 s1, s12  }
0x2e: {  	s5 =	simm.s32 $0x6;
	s12 =	sadd.s32 $0x690, s0;
	[dreg:$0x7] =	wrdreg s8  }
0x2f: {  	s2 =	simm.s32 $0x1;
	s8 =	sadd.s32 $0x490, s0;
	[dreg:$0x1d] =	wrdreg s12  }
0x30: {  	s6 =	simm.s32 $0x0;
	s0 =	simm.s32 $0x400;
	[dreg:$0x19] =	wrdreg s8  }
.LBB2_12:
0x31: {  	s8 =	rddreg [dreg:$0x8];
	s9 =	simm.s32 $0x1A700  }
0x32: {  	[hbm4b:s8+s31] =	stream.strided.scatter [tilespmem:s9], [sflag:$0x6], $0x4000, s0, s31, $0x38;
	[tilespmem:$0x1E700] =	vst v63  }
0x33: {  	_ =	swait.ge [sflag:s5], $0x4000  }
0x34: {  	s6 =	sadd.s32 $0x1, s6;
	s18 =	rddreg [dreg:$0x9]  }
0x35: {  	p0 =	sne.s32 s6, s18  }
.Ltmp1:
0x36: {  	_ = 	snop;
	(pc) =	sbr.rel @!p0 .LBB2_13-.Ltmp1, $3  }
0x37: {  	_ =	sdelay $0x1  }
0x38: {  	[sflag:s5] =	ssyncset.done $0x0  }
0x39: {  	[sflag:s5] =	ssyncadd.s32 $0xFFFFC000  }
.LBB2_1:
0x3a: {  	s8 =	simm.s32 $0x18700;
	s16 =	rddreg [dreg:$0xa]  }
0x3b: {  	[tilespmem:s8], [sflag:$0x2] =	stream.linear.gather [hbm4b:s4+s3], $0x80, $0x38;
	[tilespmem:$0x1E700] =	vst v63  }
0x3c: {  	s9 =	simm.s32 $0x18900;
	s17 =	rddreg [dreg:$0xb]  }
0x3d: {  	[tilespmem:s9], [sflag:$0x2] =	stream.linear.gather [hbm4b:s16+s3], $0x80, $0x38;
	[tilespmem:$0x1E700] =	vst v63  }
0x3e: {  	s18 =	simm.s32 $0x18B00;
	s11 =	rddreg [dreg:$0xd]  }
0x3f: {  	[tilespmem:s18], [sflag:$0x2] =	stream.linear.gather [hbm4b:s17+s3], $0x80, $0x38;
	[tilespmem:$0x1E700] =	vst v63  }
0x40: {  	s10 =	simm.s32 $0x18D00;
	s9 =	rddreg [dreg:$0xc]  }
0x41: {  	[tilespmem:s10], [sflag:$0x2] =	stream.linear.gather [hbm4b:s9+s3], $0x80, $0x38;
	[tilespmem:$0x1E700] =	vst v63  }
0x42: {  	s12 =	simm.s32 $0x18F00;
	s13 =	rddreg [dreg:$0xe]  }
0x43: {  	[tilespmem:s12], [sflag:$0x2] =	stream.linear.gather [hbm4b:s11+s3], $0x80, $0x38;
	[tilespmem:$0x1E700] =	vst v63  }
0x44: {  	s14 =	simm.s32 $0x19100;
	s15 =	rddreg [dreg:$0xf]  }
0x45: {  	[tilespmem:s14], [sflag:$0x2] =	stream.linear.gather [hbm4b:s13+s3], $0x80, $0x38;
	[tilespmem:$0x1E700] =	vst v63  }
0x46: {  	s16 =	simm.s32 $0x19300;
	s17 =	rddreg [dreg:$0x10]  }
0x47: {  	[tilespmem:s16], [sflag:$0x2] =	stream.linear.gather [hbm4b:s15+s3], $0x80, $0x38;
	[tilespmem:$0x1E700] =	vst v63  }
0x48: {  	s18 =	simm.s32 $0x19500;
	s9 =	rddreg [dreg:$0x11]  }
0x49: {  	[tilespmem:s18], [sflag:$0x2] =	stream.linear.gather [hbm4b:s17+s3], $0x80, $0x38;
	[tilespmem:$0x1E700] =	vst v63  }
0x4a: {  	s10 =	simm.s32 $0x19700;
	s11 =	rddreg [dreg:$0x12]  }
0x4b: {  	[tilespmem:s10], [sflag:$0x2] =	stream.linear.gather [hbm4b:s9+s3], $0x80, $0x38;
	[tilespmem:$0x1E700] =	vst v63  }
0x4c: {  	s12 =	simm.s32 $0x19900;
	s13 =	rddreg [dreg:$0x13]  }
0x4d: {  	[tilespmem:s12], [sflag:$0x2] =	stream.linear.gather [hbm4b:s11+s3], $0x80, $0x38;
	[tilespmem:$0x1E700] =	vst v63  }
0x4e: {  	s14 =	simm.s32 $0x19B00;
	s15 =	rddreg [dreg:$0x14]  }
0x4f: {  	[tilespmem:s14], [sflag:$0x2] =	stream.linear.gather [hbm4b:s13+s3], $0x80, $0x38;
	[tilespmem:$0x1E700] =	vst v63  }
0x50: {  	s16 =	simm.s32 $0x19D00;
	s17 =	rddreg [dreg:$0x15]  }
0x51: {  	[tilespmem:s16], [sflag:$0x2] =	stream.linear.gather [hbm4b:s15+s3], $0x80, $0x38;
	[tilespmem:$0x1E700] =	vst v63  }
0x52: {  	s18 =	simm.s32 $0x19F00;
	s9 =	rddreg [dreg:$0x16]  }
0x53: {  	[tilespmem:s18], [sflag:$0x2] =	stream.linear.gather [hbm4b:s17+s3], $0x80, $0x38;
	[tilespmem:$0x1E700] =	vst v63  }
0x54: {  	s10 =	simm.s32 $0x1A100;
	s11 =	rddreg [dreg:$0x17]  }
0x55: {  	[tilespmem:s10], [sflag:$0x2] =	stream.linear.gather [hbm4b:s9+s3], $0x80, $0x38;
	[tilespmem:$0x1E700] =	vst v63  }
0x56: {  	s12 =	simm.s32 $0x1A300;
	s13 =	rddreg [dreg:$0x18]  }
0x57: {  	[tilespmem:s12], [sflag:$0x2] =	stream.linear.gather [hbm4b:s11+s3], $0x80, $0x38;
	[tilespmem:$0x1E700] =	vst v63  }
0x58: {  	s14 =	simm.s32 $0x1A500;
	s15 =	rddreg [dreg:$0x4]  }
0x59: {  	[tilespmem:s14], [sflag:$0x2] =	stream.linear.gather [hbm4b:s13+s3], $0x80, $0x38;
	[tilespmem:$0x1E700] =	vst v63  }
0x5a: {  	s16 =	simm.s32 $0x18780;
	s17 =	rddreg [dreg:$0x19]  }
0x5b: {  	[tilespmem:s16], [sflag:$0x3] =	stream.linear.gather [hbm4b:s15+s3], $0x80, $0x38;
	[tilespmem:$0x1E700] =	vst v63  }
0x5c: {  	s18 =	simm.s32 $0x18980;
	s9 =	rddreg [dreg:$0x1a]  }
0x5d: {  	[tilespmem:s18], [sflag:$0x3] =	stream.linear.gather [hbm4b:s17+s3], $0x80, $0x38;
	[tilespmem:$0x1E700] =	vst v63  }
0x5e: {  	s10 =	simm.s32 $0x18B80;
	s11 =	rddreg [dreg:$0x1b]  }
0x5f: {  	[tilespmem:s10], [sflag:$0x3] =	stream.linear.gather [hbm4b:s9+s3], $0x80, $0x38;
	[tilespmem:$0x1E700] =	vst v63  }
0x60: {  	s12 =	simm.s32 $0x18D80;
	s13 =	rddreg [dreg:$0x1c]  }
0x61: {  	[tilespmem:s12], [sflag:$0x3] =	stream.linear.gather [hbm4b:s11+s3], $0x80, $0x38;
	[tilespmem:$0x1E700] =	vst v63  }
0x62: {  	s14 =	simm.s32 $0x18F80;
	s15 =	rddreg [dreg:$0x1d]  }
0x63: {  	[tilespmem:s14], [sflag:$0x3] =	stream.linear.gather [hbm4b:s13+s3], $0x80, $0x38;
	[tilespmem:$0x1E700] =	vst v63  }
0x64: {  	s16 =	simm.s32 $0x19180;
	s17 =	rddreg [dreg:$0x1e]  }
0x65: {  	[tilespmem:s16], [sflag:$0x3] =	stream.linear.gather [hbm4b:s15+s3], $0x80, $0x38;
	[tilespmem:$0x1E700] =	vst v63  }
0x66: {  	s18 =	simm.s32 $0x19380;
	s9 =	rddreg [dreg:$0x1f]  }
0x67: {  	[tilespmem:s18], [sflag:$0x3] =	stream.linear.gather [hbm4b:s17+s3], $0x80, $0x38;
	[tilespmem:$0x1E700] =	vst v63  }
0x68: {  	s10 =	simm.s32 $0x19580;
	s11 =	sld [smem:$0x7F2]  }
0x69: {  	[tilespmem:s10], [sflag:$0x3] =	stream.linear.gather [hbm4b:s9+s3], $0x80, $0x38;
	[tilespmem:$0x1E700] =	vst v63  }
0x6a: {  	s12 =	simm.s32 $0x19780;
	s13 =	sld [smem:$0x7F3]  }
0x6b: {  	[tilespmem:s12], [sflag:$0x3] =	stream.linear.gather [hbm4b:s11+s3], $0x80, $0x38;
	[tilespmem:$0x1E700] =	vst v63  }
0x6c: {  	s14 =	simm.s32 $0x19980;
	s15 =	sld [smem:$0x7F4]  }
0x6d: {  	[tilespmem:s14], [sflag:$0x3] =	stream.linear.gather [hbm4b:s13+s3], $0x80, $0x38;
	[tilespmem:$0x1E700] =	vst v63  }
0x6e: {  	s16 =	simm.s32 $0x19B80;
	s17 =	sld [smem:$0x7F5]  }
0x6f: {  	[tilespmem:s16], [sflag:$0x3] =	stream.linear.gather [hbm4b:s15+s3], $0x80, $0x38;
	[tilespmem:$0x1E700] =	vst v63  }
0x70: {  	s18 =	simm.s32 $0x19D80;
	s9 =	sld [smem:$0x7F6]  }
0x71: {  	[tilespmem:s18], [sflag:$0x3] =	stream.linear.gather [hbm4b:s17+s3], $0x80, $0x38;
	[tilespmem:$0x1E700] =	vst v63  }
0x72: {  	s10 =	simm.s32 $0x19F80;
	s11 =	sld [smem:$0x7F7]  }
0x73: {  	[tilespmem:s10], [sflag:$0x3] =	stream.linear.gather [hbm4b:s9+s3], $0x80, $0x38;
	[tilespmem:$0x1E700] =	vst v63  }
0x74: {  	s12 =	simm.s32 $0x1A180;
	s13 =	sld [smem:$0x7F8]  }
0x75: {  	[tilespmem:s12], [sflag:$0x3] =	stream.linear.gather [hbm4b:s11+s3], $0x80, $0x38;
	[tilespmem:$0x1E700] =	vst v63  }
0x76: {  	s14 =	simm.s32 $0x1A380;
	s15 =	sld [smem:$0x7F9]  }
0x77: {  	[tilespmem:s14], [sflag:$0x3] =	stream.linear.gather [hbm4b:s13+s3], $0x80, $0x38;
	[tilespmem:$0x1E700] =	vst v63  }
0x78: {  	s16 =	simm.s32 $0x1A580;
	s17 =	rddreg [dreg:$0x5]  }
0x79: {  	[tilespmem:s16], [sflag:$0x3] =	stream.linear.gather [hbm4b:s15+s3], $0x80, $0x38;
	[tilespmem:$0x1E700] =	vst v63  }
0x7a: {  	s18 =	simm.s32 $0x18800;
	s9 =	sld [smem:$0x7FA]  }
0x7b: {  	[tilespmem:s18], [sflag:$0x4] =	stream.linear.gather [hbm4b:s17+s3], $0x80, $0x38;
	[tilespmem:$0x1E700] =	vst v63  }
0x7c: {  	s10 =	simm.s32 $0x18A00;
	s11 =	sld [smem:$0x7FB]  }
0x7d: {  	[tilespmem:s10], [sflag:$0x4] =	stream.linear.gather [hbm4b:s9+s3], $0x80, $0x38;
	[tilespmem:$0x1E700] =	vst v63  }
0x7e: {  	s12 =	simm.s32 $0x18C00;
	s13 =	sld [smem:$0x7FC]  }
0x7f: {  	[tilespmem:s12], [sflag:$0x4] =	stream.linear.gather [hbm4b:s11+s3], $0x80, $0x38;
	[tilespmem:$0x1E700] =	vst v63  }
0x80: {  	s14 =	simm.s32 $0x18E00;
	s15 =	sld [smem:$0x7FD]  }
0x81: {  	[tilespmem:s14], [sflag:$0x4] =	stream.linear.gather [hbm4b:s13+s3], $0x80, $0x38;
	[tilespmem:$0x1E700] =	vst v63  }
0x82: {  	s16 =	simm.s32 $0x19000  }
0x83: {  	[tilespmem:s16], [sflag:$0x4] =	stream.linear.gather [hbm4b:s15+s3], $0x80, $0x38;
	[tilespmem:$0x1E700] =	vst v63  }
0x84: {  	s17 =	simm.s32 $0x19200  }
0x85: {  	[tilespmem:s17], [sflag:$0x4] =	stream.linear.gather [hbm4b:s19+s3], $0x80, $0x38;
	[tilespmem:$0x1E700] =	vst v63  }
0x86: {  	s18 =	simm.s32 $0x19400  }
0x87: {  	[tilespmem:s18], [sflag:$0x4] =	stream.linear.gather [hbm4b:s20+s3], $0x80, $0x38;
	[tilespmem:$0x1E700] =	vst v63  }
0x88: {  	s9 =	simm.s32 $0x19600  }
0x89: {  	[tilespmem:s9], [sflag:$0x4] =	stream.linear.gather [hbm4b:s21+s3], $0x80, $0x38;
	[tilespmem:$0x1E700] =	vst v63  }
0x8a: {  	s10 =	simm.s32 $0x19800  }
0x8b: {  	[tilespmem:s10], [sflag:$0x4] =	stream.linear.gather [hbm4b:s22+s3], $0x80, $0x38;
	[tilespmem:$0x1E700] =	vst v63  }
0x8c: {  	s11 =	simm.s32 $0x19A00  }
0x8d: {  	[tilespmem:s11], [sflag:$0x4] =	stream.linear.gather [hbm4b:s23+s3], $0x80, $0x38;
	[tilespmem:$0x1E700] =	vst v63  }
0x8e: {  	s12 =	simm.s32 $0x19C00  }
0x8f: {  	[tilespmem:s12], [sflag:$0x4] =	stream.linear.gather [hbm4b:s24+s3], $0x80, $0x38;
	[tilespmem:$0x1E700] =	vst v63  }
0x90: {  	s13 =	simm.s32 $0x19E00  }
0x91: {  	[tilespmem:s13], [sflag:$0x4] =	stream.linear.gather [hbm4b:s25+s3], $0x80, $0x38;
	[tilespmem:$0x1E700] =	vst v63  }
0x92: {  	s14 =	simm.s32 $0x1A000  }
0x93: {  	[tilespmem:s14], [sflag:$0x4] =	stream.linear.gather [hbm4b:s26+s3], $0x80, $0x38;
	[tilespmem:$0x1E700] =	vst v63  }
0x94: {  	s15 =	simm.s32 $0x1A200  }
0x95: {  	[tilespmem:s15], [sflag:$0x4] =	stream.linear.gather [hbm4b:s28+s3], $0x80, $0x38;
	[tilespmem:$0x1E700] =	vst v63  }
0x96: {  	s16 =	simm.s32 $0x1A400  }
0x97: {  	[tilespmem:s16], [sflag:$0x4] =	stream.linear.gather [hbm4b:s29+s3], $0x80, $0x38;
	[tilespmem:$0x1E700] =	vst v63  }
0x98: {  	s17 =	simm.s32 $0x1A600  }
0x99: {  	[tilespmem:s17], [sflag:$0x4] =	stream.linear.gather [hbm4b:s30+s3], $0x80, $0x38;
	[tilespmem:$0x1E700] =	vst v63  }
0x9a: {  	s18 =	rddreg [dreg:$0x6]  }
0x9b: {  	[tilespmem:s3], [sflag:$0x1] =	stream.strided.gather [hbm4b:s18+s31], $0x18700, s0, s31, $0x38;
	[tilespmem:$0x1E700] =	vst v63  }
0x9c: {  	_ =	swait.ge [sflag:s2], $0x18700  }
0x9d: {  	s8 =	simm.s32 $0x1A780;
	[sflag:s2] =	ssyncset.done $0x0  }
0x9e: {  	s9 =	simm.s32 $0x0;
	s10 =	simm.s32 $0x0;
	[sflag:s2] =	ssyncadd.s32 $0xFFFE7900  }
.LBB2_2:
0x9f: {  	s11 =	sand.u32 $0x3, s10  }
0xa0: {  	s11 =	sadd.s32 $0x2, s11  }
0xa1: {  	s12 =	sand.u32 $0x3, s9;
	_ =	swait.ge [sflag:s11], $0x800  }
0xa2: {  	s12 =	sshll.u32 s12, $0x7;
	[sflag:s11] =	ssyncset.done $0x0  }
0xa3: {  	s13 =	sadd.s32 $0x18900, s12;
	[sflag:s11] =	ssyncadd.s32 $0xFFFFF800  }
0xa4: {  	v0 =	vld [tilespmem:s13+$0x70]  }
0xa5: {  	v1 =	vld [tilespmem:s13+$0xFFFFFE10]  }
0xa6: {  	v2 =	vld [tilespmem:s13+$0xFFFFFE20]  }
0xa7: {  	v3 =	vld [tilespmem:s13+$0xFFFFFE30]  }
0xa8: {  	v4 =	vld [tilespmem:s13+$0xFFFFFE40]  }
0xa9: {  	v5 =	vld [tilespmem:s13+$0xFFFFFE50]  }
0xaa: {  	v6 =	vld [tilespmem:s13+$0xFFFFFE60]  }
0xab: {  	v7 =	vld [tilespmem:s13+$0xFFFFFE70]  }
0xac: {  	v8 =	vld [tilespmem:s13+$0x0]  }
0xad: {  	v9 =	vld [tilespmem:s13+$0x10]  }
0xae: {  	v10 =	vld [tilespmem:s13+$0x20]  }
0xaf: {  	v11 =	vld [tilespmem:s13+$0x30]  }
0xb0: {  	v12 =	vld [tilespmem:s13+$0x40]  }
0xb1: {  	v13 =	vld [tilespmem:s13+$0x50]  }
0xb2: {  	v14 =	vld [tilespmem:s13+$0x60]  }
0xb3: {  	v15 =	vld [tilespmem:s13+$0xFFFFFE00]  }
0xb4: {  	v0 =	vld.idx.msk [tilespmem:v0+s3+$0x0], $0xffff  }
0xb5: {  	v1 =	vld.idx.msk [tilespmem:v1+s3+$0x0], $0xffff  }
0xb6: {  	v2 =	vld.idx.msk [tilespmem:v2+s3+$0x0], $0xffff  }
0xb7: {  	v3 =	vld.idx.msk [tilespmem:v3+s3+$0x0], $0xffff  }
0xb8: {  	v4 =	vld.idx.msk [tilespmem:v4+s3+$0x0], $0xffff  }
0xb9: {  	v5 =	vld.idx.msk [tilespmem:v5+s3+$0x0], $0xffff  }
0xba: {  	[tilespmem:s8+$0x70] =	vst v0;
	v0 =	vld.idx.msk [tilespmem:v6+s3+$0x0], $0xffff  }
0xbb: {  	[tilespmem:s8+$0xFFFFFF90] =	vst v1;
	v1 =	vld.idx.msk [tilespmem:v7+s3+$0x0], $0xffff  }
0xbc: {  	v6 =	vld.idx.msk [tilespmem:v15+s3+$0x0], $0xffff;
	[tilespmem:s8+$0xFFFFFFA0] =	vst v2  }
0xbd: {  	[tilespmem:s8+$0xFFFFFFB0] =	vst v3;
	v7 =	vld.idx.msk [tilespmem:v8+s3+$0x0], $0xffff  }
0xbe: {  	[tilespmem:s8+$0xFFFFFFC0] =	vst v4;
	v2 =	vld.idx.msk [tilespmem:v9+s3+$0x0], $0xffff  }
0xbf: {  	[tilespmem:s8+$0xFFFFFFD0] =	vst v5;
	v3 =	vld.idx.msk [tilespmem:v10+s3+$0x0], $0xffff  }
0xc0: {  	v4 =	vld.idx.msk [tilespmem:v11+s3+$0x0], $0xffff;
	[tilespmem:s8+$0xFFFFFFE0] =	vst v0  }
0xc1: {  	v5 =	vld.idx.msk [tilespmem:v12+s3+$0x0], $0xffff;
	[tilespmem:s8+$0xFFFFFFF0] =	vst v1  }
0xc2: {  	[tilespmem:s8+$0xFFFFFF80] =	vst v6;
	v1 =	vld.idx.msk [tilespmem:v13+s3+$0x0], $0xffff  }
0xc3: {  	s12 =	simm.s32 $0x0;
	s11 =	smov.u32 s8;
	s13 =	sadd.s32 $0x400, s13;
	[tilespmem:s8+$0x0] =	vst v7;
	v0 =	vld.idx.msk [tilespmem:v14+s3+$0x0], $0xffff  }
.LBB2_3:
0xc4: {  	v6 =	vld [tilespmem:s13+$0x70];
	s12 =	sadd.s32 $0x10, s12;
	[tilespmem:s11+$0x10] =	vst v2  }
0xc5: {  	v2 =	vld [tilespmem:s13+$0xFFFFFE10];
	p0 =	slt.u32 s12, $0x70;
	[tilespmem:s11+$0x20] =	vst v3  }
0xc6: {  	v3 =	vld [tilespmem:s13+$0xFFFFFE20];
	[tilespmem:s11+$0x30] =	vst v4  }
0xc7: {  	v4 =	vld [tilespmem:s13+$0xFFFFFE30];
	[tilespmem:s11+$0x40] =	vst v5  }
0xc8: {  	v5 =	vld [tilespmem:s13+$0xFFFFFE40];
	[tilespmem:s11+$0x50] =	vst v1  }
0xc9: {  	v1 =	vld [tilespmem:s13+$0xFFFFFE50];
	[tilespmem:s11+$0x60] =	vst v0  }
0xca: {  	v0 =	vld [tilespmem:s13+$0xFFFFFE60]  }
0xcb: {  	v7 =	vld [tilespmem:s13+$0xFFFFFE70]  }
0xcc: {  	v6 =	vld.idx.msk [tilespmem:v6+s3+$0x0], $0xffff  }
0xcd: {  	v8 =	vld [tilespmem:s13+$0x0]  }
0xce: {  	v9 =	vld [tilespmem:s13+$0x10]  }
0xcf: {  	v10 =	vld [tilespmem:s13+$0x20]  }
0xd0: {  	v11 =	vld [tilespmem:s13+$0x30]  }
0xd1: {  	s11 =	sadd.s32 $0x100, s11;
	v12 =	vld [tilespmem:s13+$0x40]  }
0xd2: {  	v13 =	vld [tilespmem:s13+$0x50];
	[tilespmem:s11+$0x70] =	vst v6  }
0xd3: {  	v6 =	vld [tilespmem:s13+$0x60]  }
0xd4: {  	v14 =	vld [tilespmem:s13+$0xFFFFFE00]  }
0xd5: {  	v2 =	vld.idx.msk [tilespmem:v2+s3+$0x0], $0xffff  }
0xd6: {  	v3 =	vld.idx.msk [tilespmem:v3+s3+$0x0], $0xffff  }
0xd7: {  	v4 =	vld.idx.msk [tilespmem:v4+s3+$0x0], $0xffff  }
0xd8: {  	v5 =	vld.idx.msk [tilespmem:v5+s3+$0x0], $0xffff  }
0xd9: {  	v1 =	vld.idx.msk [tilespmem:v1+s3+$0x0], $0xffff  }
0xda: {  	v0 =	vld.idx.msk [tilespmem:v0+s3+$0x0], $0xffff  }
0xdb: {  	[tilespmem:s11+$0xFFFFFF90] =	vst v2;
	v7 =	vld.idx.msk [tilespmem:v7+s3+$0x0], $0xffff  }
0xdc: {  	v14 =	vld.idx.msk [tilespmem:v14+s3+$0x0], $0xffff;
	[tilespmem:s11+$0xFFFFFFA0] =	vst v3  }
0xdd: {  	[tilespmem:s11+$0xFFFFFFB0] =	vst v4;
	v8 =	vld.idx.msk [tilespmem:v8+s3+$0x0], $0xffff  }
0xde: {  	[tilespmem:s11+$0xFFFFFFC0] =	vst v5;
	v2 =	vld.idx.msk [tilespmem:v9+s3+$0x0], $0xffff  }
.Ltmp2:
0xdf: {  	[tilespmem:s11+$0xFFFFFFD0] =	vst v1;
	v3 =	vld.idx.msk [tilespmem:v10+s3+$0x0], $0xffff;
	(pc) =	sbr.rel @p0 .LBB2_3-.Ltmp2, $4  }
0xe0: {  	[tilespmem:s11+$0xFFFFFFE0] =	vst v0;
	v4 =	vld.idx.msk [tilespmem:v11+s3+$0x0], $0xffff  }
0xe1: {  	[tilespmem:s11+$0xFFFFFFF0] =	vst v7;
	v5 =	vld.idx.msk [tilespmem:v12+s3+$0x0], $0xffff  }
0xe2: {  	[tilespmem:s11+$0xFFFFFF80] =	vst v14;
	v1 =	vld.idx.msk [tilespmem:v13+s3+$0x0], $0xffff  }
0xe3: {  	s13 =	sadd.s32 $0x400, s13;
	[tilespmem:s11+$0x0] =	vst v8;
	v0 =	vld.idx.msk [tilespmem:v6+s3+$0x0], $0xffff  }
0xe4: {  	[tilespmem:s11+$0x10] =	vst v2  }
0xe5: {  	[tilespmem:s11+$0x20] =	vst v3;
	s12 =	sadd.s32 $0x3, s10  }
0xe6: {  	[tilespmem:s11+$0x30] =	vst v4;
	s13 =	sshll.u32 s12, $0x4  }
0xe7: {  	s14 =	sand.u32 $0x3, s12;
	s12 =	sshll.u32 s12, $0x8;
	[tilespmem:s11+$0x40] =	vst v5;
	s13 =	sand.u32 $0x70, s13  }
0xe8: {  	s15 =	sshll.u32 s14, $0x7;
	s12 =	sand.u32 $0x800, s12;
	[tilespmem:s11+$0x50] =	vst v1;
	s13 =	sadd.s32 s4, s13  }
0xe9: {  	s17 =	sadd.s32 $0x18700, s15;
	[tilespmem:s11+$0x60] =	vst v0;
	s11 =	sadd.s32 $0x2, s14;
	s12 =	sadd.s32 s12, s13  }
0xea: {  	[tilespmem:s17], [sflag:s11] =	stream.linear.gather [hbm4b:s12+s3], $0x80, $0x38;
	[tilespmem:$0x1E700] =	vst v63  }
0xeb: {  	s18 =	sadd.s32 $0x18900, s15;
	s13 =	sadd.s32 $0x80, s12  }
0xec: {  	[tilespmem:s18], [sflag:s11] =	stream.linear.gather [hbm4b:s13+s3], $0x80, $0x38;
	[tilespmem:$0x1E700] =	vst v63  }
0xed: {  	s16 =	sadd.s32 $0x18B00, s15;
	s14 =	sadd.s32 $0x100, s12  }
0xee: {  	[tilespmem:s16], [sflag:s11] =	stream.linear.gather [hbm4b:s14+s3], $0x80, $0x38;
	[tilespmem:$0x1E700] =	vst v63  }
0xef: {  	s17 =	sadd.s32 $0x180, s12;
	s18 =	sadd.s32 $0x18D00, s15  }
0xf0: {  	[tilespmem:s18], [sflag:s11] =	stream.linear.gather [hbm4b:s17+s3], $0x80, $0x38;
	[tilespmem:$0x1E700] =	vst v63  }
0xf1: {  	s14 =	sadd.s32 $0x200, s12;
	s16 =	sadd.s32 $0x18F00, s15  }
0xf2: {  	[tilespmem:s16], [sflag:s11] =	stream.linear.gather [hbm4b:s14+s3], $0x80, $0x38;
	[tilespmem:$0x1E700] =	vst v63  }
0xf3: {  	s17 =	sadd.s32 $0x280, s12;
	s18 =	sadd.s32 $0x19100, s15  }
0xf4: {  	[tilespmem:s18], [sflag:s11] =	stream.linear.gather [hbm4b:s17+s3], $0x80, $0x38;
	[tilespmem:$0x1E700] =	vst v63  }
0xf5: {  	s14 =	sadd.s32 $0x300, s12;
	s16 =	sadd.s32 $0x19300, s15  }
0xf6: {  	[tilespmem:s16], [sflag:s11] =	stream.linear.gather [hbm4b:s14+s3], $0x80, $0x38;
	[tilespmem:$0x1E700] =	vst v63  }
0xf7: {  	s17 =	sadd.s32 $0x380, s12;
	s18 =	sadd.s32 $0x19500, s15  }
0xf8: {  	[tilespmem:s18], [sflag:s11] =	stream.linear.gather [hbm4b:s17+s3], $0x80, $0x38;
	[tilespmem:$0x1E700] =	vst v63  }
0xf9: {  	s14 =	sadd.s32 $0x400, s12;
	s16 =	sadd.s32 $0x19700, s15  }
0xfa: {  	[tilespmem:s16], [sflag:s11] =	stream.linear.gather [hbm4b:s14+s3], $0x80, $0x38;
	[tilespmem:$0x1E700] =	vst v63  }
0xfb: {  	s17 =	sadd.s32 $0x480, s12;
	s18 =	sadd.s32 $0x19900, s15  }
0xfc: {  	[tilespmem:s18], [sflag:s11] =	stream.linear.gather [hbm4b:s17+s3], $0x80, $0x38;
	[tilespmem:$0x1E700] =	vst v63  }
0xfd: {  	s14 =	sadd.s32 $0x500, s12;
	s16 =	sadd.s32 $0x19B00, s15  }
0xfe: {  	[tilespmem:s16], [sflag:s11] =	stream.linear.gather [hbm4b:s14+s3], $0x80, $0x38;
	[tilespmem:$0x1E700] =	vst v63  }
0xff: {  	s17 =	sadd.s32 $0x580, s12;
	s18 =	sadd.s32 $0x19D00, s15  }
0x100: {  	[tilespmem:s18], [sflag:s11] =	stream.linear.gather [hbm4b:s17+s3], $0x80, $0x38;
	[tilespmem:$0x1E700] =	vst v63  }
0x101: {  	s10 =	sadd.s32 $0x1, s10;
	s14 =	sadd.s32 $0x600, s12;
	s16 =	sadd.s32 $0x19F00, s15  }
0x102: {  	[tilespmem:s16], [sflag:s11] =	stream.linear.gather [hbm4b:s14+s3], $0x80, $0x38;
	[tilespmem:$0x1E700] =	vst v63  }
0x103: {  	p0 =	sne.s32 s10, $0x8;
	s17 =	sadd.s32 $0x680, s12;
	s18 =	sadd.s32 $0x1A100, s15  }
0x104: {  	[tilespmem:s18], [sflag:s11] =	stream.linear.gather [hbm4b:s17+s3], $0x80, $0x38;
	[tilespmem:$0x1E700] =	vst v63  }
.Ltmp3:
0x105: {  	_ = 	snop;
	(pc) =	sbr.rel @p0 .LBB2_2-.Ltmp3, $4  }
0x106: {  	s8 =	sadd.s32 $0x800, s8;
	s16 =	sadd.s32 $0x700, s12;
	s17 =	sadd.s32 $0x1A300, s15  }
0x107: {  	[tilespmem:s17], [sflag:s11] =	stream.linear.gather [hbm4b:s16+s3], $0x80, $0x38;
	[tilespmem:$0x1E700] =	vst v63  }
0x108: {  	s9 =	sadd.s32 $0x1, s9;
	s12 =	sadd.s32 $0x780, s12;
	s18 =	sadd.s32 $0x1A500, s15  }
0x109: {  	[tilespmem:s18], [sflag:s11] =	stream.linear.gather [hbm4b:s12+s3], $0x80, $0x38;
	[tilespmem:$0x1E700] =	vst v63  }
0x10a: {  	s8 =	rddreg [dreg:$0x7]  }
0x10b: {  	[tilespmem:s3], [sflag:$0x1] =	stream.strided.gather [hbm4b:s8+s31], $0x18700, s0, s31, $0x38;
	[tilespmem:$0x1E700] =	vst v63  }
0x10c: {  	s8 =	simm.s32 $0x1  }
.LBB2_6:
0x10d: {  	_ =	swait.ge [sflag:s2], $0x18700  }
0x10e: {  	s9 =	sshll.u32 s8, $0x3;
	s10 =	simm.s32 $0x0;
	[sflag:s2] =	ssyncset.done $0x0  }
0x10f: {  	s15 =	simm.s32 $0x1A7F0;
	s12 =	simm.s32 $0x0;
	[sflag:s2] =	ssyncadd.s32 $0xFFFE7900  }
.LBB2_7:
0x110: {  	s11 =	sand.u32 $0x3, s12  }
0x111: {  	s11 =	sadd.s32 $0x2, s11  }
0x112: {  	s13 =	sand.u32 $0x3, s10;
	_ =	swait.ge [sflag:s11], $0x800  }
0x113: {  	s13 =	sshll.u32 s13, $0x7;
	[sflag:s11] =	ssyncset.done $0x0  }
0x114: {  	s14 =	sadd.s32 $0x18900, s13;
	[sflag:s11] =	ssyncadd.s32 $0xFFFFF800  }
0x115: {  	v0 =	vld [tilespmem:s14+$0x70]  }
0x116: {  	v1 =	vld [tilespmem:s14+$0xFFFFFE10]  }
0x117: {  	v2 =	vld [tilespmem:s14+$0xFFFFFE20]  }
0x118: {  	v3 =	vld [tilespmem:s14+$0xFFFFFE30]  }
0x119: {  	v4 =	vld [tilespmem:s14+$0xFFFFFE40]  }
0x11a: {  	v5 =	vld [tilespmem:s14+$0xFFFFFE50]  }
0x11b: {  	v6 =	vld [tilespmem:s14+$0xFFFFFE60]  }
0x11c: {  	v7 =	vld [tilespmem:s14+$0xFFFFFE70]  }
0x11d: {  	v8 =	vld [tilespmem:s14+$0x0]  }
0x11e: {  	v9 =	vld [tilespmem:s14+$0x10]  }
0x11f: {  	v10 =	vld [tilespmem:s14+$0x20]  }
0x120: {  	v11 =	vld [tilespmem:s14+$0x30]  }
0x121: {  	v12 =	vld [tilespmem:s14+$0x40]  }
0x122: {  	v63 =	vld [tilespmem:s14+$0x50]  }
0x123: {  	v13 =	vld [tilespmem:s14+$0x60]  }
0x124: {  	v14 =	vld [tilespmem:s14+$0xFFFFFE00]  }
0x125: {  	v0 =	vld.idx.msk [tilespmem:v0+s3+$0x0], $0xffff  }
0x126: {  	v1 =	vld.idx.msk [tilespmem:v1+s3+$0x0], $0xffff  }
0x127: {  	v2 =	vld.idx.msk [tilespmem:v2+s3+$0x0], $0xffff  }
0x128: {  	v3 =	vld.idx.msk [tilespmem:v3+s3+$0x0], $0xffff  }
0x129: {  	v4 =	vld.idx.msk [tilespmem:v4+s3+$0x0], $0xffff  }
0x12a: {  	v5 =	vld.idx.msk [tilespmem:v5+s3+$0x0], $0xffff  }
0x12b: {  	v6 =	vld.idx.msk [tilespmem:v6+s3+$0x0], $0xffff  }
0x12c: {  	v7 =	vld.idx.msk [tilespmem:v7+s3+$0x0], $0xffff  }
0x12d: {  	v14 =	vld.idx.msk [tilespmem:v14+s3+$0x0], $0xffff  }
0x12e: {  	v8 =	vld.idx.msk [tilespmem:v8+s3+$0x0], $0xffff  }
0x12f: {  	v9 =	vld.idx.msk [tilespmem:v9+s3+$0x0], $0xffff  }
0x130: {  	v10 =	vld.idx.msk [tilespmem:v10+s3+$0x0], $0xffff  }
0x131: {  	v11 =	vld.idx.msk [tilespmem:v11+s3+$0x0], $0xffff  }
0x132: {  	v12 =	vld.idx.msk [tilespmem:v12+s3+$0x0], $0xffff  }
0x133: {  	v13 =	vld.idx.msk [tilespmem:v13+s3+$0x0], $0xffff  }
0x134: {  	[tilespmem:s15+$0x0] =	vst.add.f32.msk $0xffff, v0  }
0x135: {  	v0 =	vld.idx.msk [tilespmem:v63+s3+$0x0], $0xffff  }
0x136: {  	[tilespmem:s15+$0xFFFFFF10] =	vst.add.f32.msk $0xffff, v14  }
0x137: {  	[tilespmem:s15+$0xFFFFFF20] =	vst.add.f32.msk $0xffff, v1  }
0x138: {  	[tilespmem:s15+$0xFFFFFF30] =	vst.add.f32.msk $0xffff, v2  }
0x139: {  	[tilespmem:s15+$0xFFFFFF40] =	vst.add.f32.msk $0xffff, v3  }
0x13a: {  	[tilespmem:s15+$0xFFFFFF50] =	vst.add.f32.msk $0xffff, v4  }
0x13b: {  	[tilespmem:s15+$0xFFFFFF60] =	vst.add.f32.msk $0xffff, v5  }
0x13c: {  	[tilespmem:s15+$0xFFFFFF70] =	vst.add.f32.msk $0xffff, v6  }
0x13d: {  	[tilespmem:s15+$0xFFFFFF80] =	vst.add.f32.msk $0xffff, v7  }
0x13e: {  	[tilespmem:s15+$0xFFFFFF90] =	vst.add.f32.msk $0xffff, v8  }
0x13f: {  	[tilespmem:s15+$0xFFFFFFA0] =	vst.add.f32.msk $0xffff, v9  }
0x140: {  	[tilespmem:s15+$0xFFFFFFB0] =	vst.add.f32.msk $0xffff, v10  }
0x141: {  	[tilespmem:s15+$0xFFFFFFC0] =	vst.add.f32.msk $0xffff, v11  }
0x142: {  	[tilespmem:s15+$0xFFFFFFD0] =	vst.add.f32.msk $0xffff, v12  }
0x143: {  	[tilespmem:s15+$0xFFFFFFF0] =	vst.add.f32.msk $0xffff, v13  }
0x144: {  	s13 =	simm.s32 $0x0;
	s11 =	smov.u32 s15;
	s14 =	sadd.s32 $0x400, s14;
	[tilespmem:s15+$0xFFFFFFE0] =	vst.add.f32.msk $0xffff, v0  }
.LBB2_8:
0x145: {  	v0 =	vld [tilespmem:s14+$0x70];
	s13 =	sadd.s32 $0x10, s13  }
0x146: {  	v1 =	vld [tilespmem:s14+$0xFFFFFE10];
	p0 =	slt.u32 s13, $0x70  }
0x147: {  	v2 =	vld [tilespmem:s14+$0xFFFFFE20]  }
0x148: {  	v3 =	vld [tilespmem:s14+$0xFFFFFE30]  }
0x149: {  	v4 =	vld [tilespmem:s14+$0xFFFFFE40]  }
0x14a: {  	v5 =	vld [tilespmem:s14+$0xFFFFFE50]  }
0x14b: {  	v6 =	vld [tilespmem:s14+$0xFFFFFE60]  }
0x14c: {  	v7 =	vld [tilespmem:s14+$0xFFFFFE70]  }
0x14d: {  	v0 =	vld.idx.msk [tilespmem:v0+s3+$0x0], $0xffff  }
0x14e: {  	v8 =	vld [tilespmem:s14+$0x0]  }
0x14f: {  	v9 =	vld [tilespmem:s14+$0x10]  }
0x150: {  	v10 =	vld [tilespmem:s14+$0x20]  }
0x151: {  	v11 =	vld [tilespmem:s14+$0x30]  }
0x152: {  	s11 =	sadd.s32 $0x100, s11;
	v12 =	vld [tilespmem:s14+$0x40]  }
0x153: {  	[tilespmem:s11+$0x0] =	vst.add.f32.msk $0xffff, v0  }
0x154: {  	v0 =	vld [tilespmem:s14+$0x50]  }
0x155: {  	v13 =	vld [tilespmem:s14+$0x60]  }
0x156: {  	v14 =	vld [tilespmem:s14+$0xFFFFFE00]  }
0x157: {  	v1 =	vld.idx.msk [tilespmem:v1+s3+$0x0], $0xffff  }
0x158: {  	v2 =	vld.idx.msk [tilespmem:v2+s3+$0x0], $0xffff  }
0x159: {  	v3 =	vld.idx.msk [tilespmem:v3+s3+$0x0], $0xffff  }
0x15a: {  	v4 =	vld.idx.msk [tilespmem:v4+s3+$0x0], $0xffff  }
0x15b: {  	v5 =	vld.idx.msk [tilespmem:v5+s3+$0x0], $0xffff  }
0x15c: {  	v6 =	vld.idx.msk [tilespmem:v6+s3+$0x0], $0xffff  }
0x15d: {  	v7 =	vld.idx.msk [tilespmem:v7+s3+$0x0], $0xffff  }
0x15e: {  	v14 =	vld.idx.msk [tilespmem:v14+s3+$0x0], $0xffff  }
0x15f: {  	v8 =	vld.idx.msk [tilespmem:v8+s3+$0x0], $0xffff  }
0x160: {  	v9 =	vld.idx.msk [tilespmem:v9+s3+$0x0], $0xffff  }
0x161: {  	v10 =	vld.idx.msk [tilespmem:v10+s3+$0x0], $0xffff  }
0x162: {  	v11 =	vld.idx.msk [tilespmem:v11+s3+$0x0], $0xffff  }
0x163: {  	v12 =	vld.idx.msk [tilespmem:v12+s3+$0x0], $0xffff  }
0x164: {  	v0 =	vld.idx.msk [tilespmem:v0+s3+$0x0], $0xffff  }
0x165: {  	v13 =	vld.idx.msk [tilespmem:v13+s3+$0x0], $0xffff  }
0x166: {  	[tilespmem:s11+$0xFFFFFF10] =	vst.add.f32.msk $0xffff, v14  }
0x167: {  	[tilespmem:s11+$0xFFFFFF20] =	vst.add.f32.msk $0xffff, v1  }
0x168: {  	[tilespmem:s11+$0xFFFFFF30] =	vst.add.f32.msk $0xffff, v2  }
0x169: {  	[tilespmem:s11+$0xFFFFFF40] =	vst.add.f32.msk $0xffff, v3  }
0x16a: {  	[tilespmem:s11+$0xFFFFFF50] =	vst.add.f32.msk $0xffff, v4  }
0x16b: {  	[tilespmem:s11+$0xFFFFFF60] =	vst.add.f32.msk $0xffff, v5  }
0x16c: {  	[tilespmem:s11+$0xFFFFFF70] =	vst.add.f32.msk $0xffff, v6  }
0x16d: {  	[tilespmem:s11+$0xFFFFFF80] =	vst.add.f32.msk $0xffff, v7  }
0x16e: {  	[tilespmem:s11+$0xFFFFFF90] =	vst.add.f32.msk $0xffff, v8  }
0x16f: {  	[tilespmem:s11+$0xFFFFFFA0] =	vst.add.f32.msk $0xffff, v9  }
.Ltmp4:
0x170: {  	[tilespmem:s11+$0xFFFFFFB0] =	vst.add.f32.msk $0xffff, v10;
	(pc) =	sbr.rel @p0 .LBB2_8-.Ltmp4, $4  }
0x171: {  	[tilespmem:s11+$0xFFFFFFC0] =	vst.add.f32.msk $0xffff, v11  }
0x172: {  	[tilespmem:s11+$0xFFFFFFD0] =	vst.add.f32.msk $0xffff, v12  }
0x173: {  	[tilespmem:s11+$0xFFFFFFE0] =	vst.add.f32.msk $0xffff, v0  }
0x174: {  	s14 =	sadd.s32 $0x400, s14;
	[tilespmem:s11+$0xFFFFFFF0] =	vst.add.f32.msk $0xffff, v13  }
0x175: {  	s11 =	sadd.s32 s9, s12  }
0x176: {  	p0 =	sgt.u32 s11, $0xCC  }
0x177: {  	s11 =	sadd.s32 @!p0 $0x3, s11  }
0x178: {  	s13 =	sand.u32 @!p0 $0x3, s11;
	s14 =	sshll.u32 @!p0 s11, $0x4  }
0x179: {  	s11 =	sshll.u32 @!p0 s11, $0x8;
	s16 =	sadd.s32 @!p0 $0x2, s13;
	s14 =	sand.u32 @!p0 $0x70, s14  }
0x17a: {  	s13 =	sshll.u32 @!p0 s13, $0x7;
	s11 =	sand.u32 @!p0 $0x1F800, s11;
	s14 =	sadd.s32 @!p0 s4, s14  }
0x17b: {  	s17 =	sadd.s32 @!p0 $0x18700, s13;
	s11 =	sadd.s32 @!p0 s11, s14;
	s14 =	simm.s32 @!p0 $0x0  }
0x17c: {  	[tilespmem:s17], [sflag:s16] =	stream.linear.gather @!p0 [hbm4b:s11+s14], $0x80, $0x38;
	[tilespmem:$0x1E700] =	vst v63  }
0x17d: {  	s18 =	sadd.s32 @!p0 $0x18900, s13;
	s17 =	sadd.s32 @!p0 $0x80, s11  }
0x17e: {  	[tilespmem:s18], [sflag:s16] =	stream.linear.gather @!p0 [hbm4b:s17+s14], $0x80, $0x38;
	[tilespmem:$0x1E700] =	vst v63  }
0x17f: {  	s17 =	sadd.s32 @!p0 $0x100, s11;
	s18 =	sadd.s32 @!p0 $0x18B00, s13  }
0x180: {  	[tilespmem:s18], [sflag:s16] =	stream.linear.gather @!p0 [hbm4b:s17+s14], $0x80, $0x38;
	[tilespmem:$0x1E700] =	vst v63  }
0x181: {  	s17 =	sadd.s32 @!p0 $0x180, s11;
	s18 =	sadd.s32 @!p0 $0x18D00, s13  }
0x182: {  	[tilespmem:s18], [sflag:s16] =	stream.linear.gather @!p0 [hbm4b:s17+s14], $0x80, $0x38;
	[tilespmem:$0x1E700] =	vst v63  }
0x183: {  	s17 =	sadd.s32 @!p0 $0x200, s11;
	s18 =	sadd.s32 @!p0 $0x18F00, s13  }
0x184: {  	[tilespmem:s18], [sflag:s16] =	stream.linear.gather @!p0 [hbm4b:s17+s14], $0x80, $0x38;
	[tilespmem:$0x1E700] =	vst v63  }
0x185: {  	s17 =	sadd.s32 @!p0 $0x280, s11;
	s18 =	sadd.s32 @!p0 $0x19100, s13  }
0x186: {  	[tilespmem:s18], [sflag:s16] =	stream.linear.gather @!p0 [hbm4b:s17+s14], $0x80, $0x38;
	[tilespmem:$0x1E700] =	vst v63  }
0x187: {  	s17 =	sadd.s32 @!p0 $0x300, s11;
	s18 =	sadd.s32 @!p0 $0x19300, s13  }
0x188: {  	[tilespmem:s18], [sflag:s16] =	stream.linear.gather @!p0 [hbm4b:s17+s14], $0x80, $0x38;
	[tilespmem:$0x1E700] =	vst v63  }
0x189: {  	s17 =	sadd.s32 @!p0 $0x380, s11;
	s18 =	sadd.s32 @!p0 $0x19500, s13  }
0x18a: {  	[tilespmem:s18], [sflag:s16] =	stream.linear.gather @!p0 [hbm4b:s17+s14], $0x80, $0x38;
	[tilespmem:$0x1E700] =	vst v63  }
0x18b: {  	s17 =	sadd.s32 @!p0 $0x400, s11;
	s18 =	sadd.s32 @!p0 $0x19700, s13  }
0x18c: {  	[tilespmem:s18], [sflag:s16] =	stream.linear.gather @!p0 [hbm4b:s17+s14], $0x80, $0x38;
	[tilespmem:$0x1E700] =	vst v63  }
0x18d: {  	s17 =	sadd.s32 @!p0 $0x480, s11;
	s18 =	sadd.s32 @!p0 $0x19900, s13  }
0x18e: {  	[tilespmem:s18], [sflag:s16] =	stream.linear.gather @!p0 [hbm4b:s17+s14], $0x80, $0x38;
	[tilespmem:$0x1E700] =	vst v63  }
0x18f: {  	s17 =	sadd.s32 @!p0 $0x500, s11;
	s18 =	sadd.s32 @!p0 $0x19B00, s13  }
0x190: {  	[tilespmem:s18], [sflag:s16] =	stream.linear.gather @!p0 [hbm4b:s17+s14], $0x80, $0x38;
	[tilespmem:$0x1E700] =	vst v63  }
0x191: {  	s17 =	sadd.s32 @!p0 $0x580, s11;
	s18 =	sadd.s32 @!p0 $0x19D00, s13  }
0x192: {  	[tilespmem:s18], [sflag:s16] =	stream.linear.gather @!p0 [hbm4b:s17+s14], $0x80, $0x38;
	[tilespmem:$0x1E700] =	vst v63  }
0x193: {  	s17 =	sadd.s32 @!p0 $0x600, s11;
	s18 =	sadd.s32 @!p0 $0x19F00, s13  }
0x194: {  	[tilespmem:s18], [sflag:s16] =	stream.linear.gather @!p0 [hbm4b:s17+s14], $0x80, $0x38;
	[tilespmem:$0x1E700] =	vst v63  }
0x195: {  	s17 =	sadd.s32 @!p0 $0x680, s11;
	s18 =	sadd.s32 @!p0 $0x1A100, s13  }
0x196: {  	[tilespmem:s18], [sflag:s16] =	stream.linear.gather @!p0 [hbm4b:s17+s14], $0x80, $0x38;
	[tilespmem:$0x1E700] =	vst v63  }
0x197: {  	s17 =	sadd.s32 @!p0 $0x700, s11;
	s18 =	sadd.s32 @!p0 $0x1A300, s13  }
0x198: {  	[tilespmem:s18], [sflag:s16] =	stream.linear.gather @!p0 [hbm4b:s17+s14], $0x80, $0x38;
	[tilespmem:$0x1E700] =	vst v63  }
0x199: {  	s12 =	sadd.s32 $0x1, s12;
	s11 =	sadd.s32 @!p0 $0x780, s11;
	s13 =	sadd.s32 @!p0 $0x1A500, s13  }
0x19a: {  	[tilespmem:s13], [sflag:s16] =	stream.linear.gather @!p0 [hbm4b:s11+s14], $0x80, $0x38;
	[tilespmem:$0x1E700] =	vst v63  }
0x19b: {  	p0 =	sne.s32 s12, $0x8  }
.Ltmp5:
0x19c: {  	_ = 	snop;
	(pc) =	sbr.rel @p0 .LBB2_7-.Ltmp5, $2  }
0x19d: {  	_ =	sdelay $0x2  }
0x19e: {  	s15 =	sadd.s32 $0x800, s15;
	s10 =	sadd.s32 $0x1, s10  }
0x19f: {  	p0 =	seq.s32 s8, $0x19  }
.Ltmp6:
0x1a0: {  	_ = 	snop;
	(pc) =	sbr.rel @p0 .LBB2_12-.Ltmp6, $1  }
0x1a1: {  	_ =	sdelay $0x3  }
0x1a2: {  	s9 =	smul.u32 $0x30E000, s8  }
.Ltmp7:
0x1a3: {  	_ = 	snop;
	(pc) =	sbr.rel .LBB2_6-.Ltmp7, $4  }
0x1a4: {  	s9 =	sadd.s32 s9, s7  }
0x1a5: {  	s9 =	sshrl.u32 s9, $0x3  }
0x1a6: {  	s8 =	sadd.s32 $0x1, s8;
	s9 =	sadd.s32 s1, s9  }
0x1a7: {  	[tilespmem:s3], [sflag:$0x1] =	stream.strided.gather [hbm4b:s9+s31], $0x18700, s0, s31, $0x38;
	[tilespmem:$0x1E700] =	vst v63  }
.LBB2_13:
0x1a8: {  	_ =	sfence.sel $0x180000  }
0x1a9: {  	[bflag:$0x0] =	sbarrier.arrive $0xFFFF  }
0x1aa: {  	_ =	strace $0x90000047  }
0x1ab: {  	s0 =	stileid.u32;
	[bflag:$0x2] =	sbarrier.arrive $0xFFFF  }
0x1ac: {  	p0 =	sne.s32 s0, $0x0;
	s0 =	rddreg [dreg:$0x3]  }
0x1ad: {  	s0 =	sadd.s32 @!p0 $0x100000, s0  }
0x1ae: {  	[sflag:s0] =	ssyncadd.tile.s32 @!p0 $0x1;
	_ =	shalt  }
.Lfunc_end2:
_tile_overlayer_lowered:
.L_overlay_start_2:
0x1af: {  	(tag) =	ssettag $0x2  }
0x1b0: {  	s0 =	rddreg [dreg:$0x0];
	s2 =	stileid.u32  }
0x1b1: {  	s1 =	rddreg [dreg:$0x1];
	p0 =	sne.s32 s2, $0x0  }
0x1b2: {  	s3 =	rddreg [dreg:$0x2];
	[bflag:$0x3] =	sbarrier.arrive $0xFFFF;
	s2 =	simm.s32 @!p0 $0x1C06  }
0x1b3: {  	[timem:s3], [sflag:s2] =	dma.local @!p0 [hbm:s0], s1  }
0x1b4: {  	s0 =	simm.s32 @!p0 $0x6  }
0x1b5: {  	_ =	swait.ge @!p0 [sflag:s0], s1  }
0x1b6: {  	s1 =	ssub.s32 @!p0 $0x0, s1;
	[sflag:s0] =	ssyncset.done @!p0 $0x0  }
0x1b7: {  	[sflag:s0] =	ssyncadd.s32 @!p0 s1  }
0x1b8: {  	[bflag:$0x3] =	sbarrier.arrive $0xFFFF  }
0x1b9: {  	_ =	shalt  }

</sc_bundles>
